<compile_context>
chip_gen: v7x
topology: tpu7x:2x2x1
jax: 0.10.2.dev20260603
libtpu: 0.0.44.dev20260713+nightly
codegen_flags: <defaults>
</compile_context>

<pallas_src>
import functools
import math

import jax
import jax.numpy as jnp
import numpy as np
from jax import lax
from jax.experimental import pallas as pl
from jax.experimental.pallas import tpu as pltpu
from jax.experimental.pallas import tpu_sc as plsc

_EMBED = 32
_LANES = 16


def _make_sc_scatter(B, L, n_idx):
    NC, NS = 2, 16
    NW = NC * NS
    nb = B // NW
    ni = n_idx // NW
    n_vec = ni // _LANES

    mesh = plsc.VectorSubcoreMesh(core_axis_name="c", subcore_axis_name="s")

    @functools.partial(
        pl.kernel,
        mesh=mesh,
        out_type=jax.ShapeDtypeStruct((B, L), jnp.int32),
        scratch_types=[
            pltpu.VMEM((ni,), jnp.int32),
            pltpu.VMEM((ni,), jnp.int32),
            pltpu.VMEM((nb, L), jnp.int32),
        ],
        compiler_params=pltpu.CompilerParams(
            use_tc_tiling_on_sc=False, needs_layout_passes=False),
    )
    def sc_scatter(rows_hbm, cols_hbm, out_hbm, rowv, colv, delta_v):
        wid = lax.axis_index("s") * NC + lax.axis_index("c")
        pltpu.sync_copy(rows_hbm.at[wid], rowv)
        pltpu.sync_copy(cols_hbm.at[wid], colv)

        zeros16 = jnp.zeros((_LANES,), jnp.int32)
        ones16 = jnp.ones((_LANES,), jnp.int32)

        def zero_body(i, carry):
            r = i // (L // _LANES)
            c = (i % (L // _LANES)) * _LANES
            delta_v[r, pl.ds(c, _LANES)] = zeros16
            return carry

        lax.fori_loop(0, nb * (L // _LANES), zero_body, 0)

        def scat_body(i, carry):
            rv = rowv[pl.ds(i * _LANES, _LANES)]
            cv = colv[pl.ds(i * _LANES, _LANES)]
            plsc.store_scatter(delta_v, [rv, cv], ones16)
            return carry

        lax.fori_loop(0, n_vec, scat_body, 0)

        iot = lax.iota(jnp.int32, _LANES)
        zcol = jnp.zeros((_LANES,), jnp.int32)
        for base in range(0, nb, _LANES):
            plsc.store_scatter(delta_v, [iot + base, zcol], zeros16)

        pltpu.sync_copy(delta_v, out_hbm.at[pl.ds(wid * nb, nb)])

    return sc_scatter


_NSPLIT = 4


def _tc_body(TB, F, nsteps, s_ref, d_ref, v_ref, c_ref, o_any, buf, sem):
    i = pl.program_id(0)
    slot = lax.rem(i, 2)
    sub = TB // _NSPLIT

    @pl.when(i >= 2)
    def _():
        for k in range(_NSPLIT):
            pltpu.make_async_copy(
                buf.at[slot, pl.ds(k * sub, sub)],
                o_any.at[pl.ds((i - 2) * TB + k * sub, sub)],
                sem.at[slot, k]).wait()

    s = s_ref[...]
    di = d_ref[...]
    v = v_ref[...]
    W = c_ref[0:1, :].reshape(1, 1, F)
    C = c_ref[2:3, :].reshape(1, 1, F)
    S = c_ref[3:4, :].reshape(1, 1, F)
    K = c_ref[4:5, :].reshape(1, 1, F)
    A = c_ref[5:6, :].reshape(1, 1, F)
    phase = A * v.reshape(TB, 1, 1)
    emb = C + S * jnp.sin(phase) + K * jnp.cos(phase)
    u = (lax.bitcast_convert_type(s, jnp.int32) & jnp.int32(~1)) | di
    ub = u[:, :, None] | jnp.zeros((1, 1, F), jnp.int32)
    sv = lax.bitcast_convert_type(ub, jnp.float32) * W + emb
    db = (ub & jnp.int32(1)).astype(jnp.float32)
    lane = lax.broadcasted_iota(jnp.int32, (1, 1, F), 2)
    buf[slot] = jnp.where(lane == 31, db, sv)

    for k in range(_NSPLIT):
        pltpu.make_async_copy(
            buf.at[slot, pl.ds(k * sub, sub)],
            o_any.at[pl.ds(i * TB + k * sub, sub)],
            sem.at[slot, k]).start()

    @pl.when(i == nsteps - 1)
    def _():
        for k in range(_NSPLIT):
            pltpu.make_async_copy(
                buf.at[slot, pl.ds(k * sub, sub)],
                o_any.at[pl.ds(i * TB + k * sub, sub)],
                sem.at[slot, k]).wait()
        other = lax.rem(i + 1, 2)

        @pl.when(i >= 1)
        def _():
            for k in range(_NSPLIT):
                pltpu.make_async_copy(
                    buf.at[other, pl.ds(k * sub, sub)],
                    o_any.at[pl.ds((i - 1) * TB + k * sub, sub)],
                    sem.at[other, k]).wait()


def _make_tc_assemble(B, L, F, TB):
    nsteps = B // TB
    return pl.pallas_call(
        functools.partial(_tc_body, TB, F, nsteps),
        grid=(nsteps,),
        in_specs=[
            pl.BlockSpec((TB, L), lambda i: (i, 0)),
            pl.BlockSpec((TB, L), lambda i: (i, 0)),
            pl.BlockSpec((TB, 1), lambda i: (i, 0)),
            pl.BlockSpec((8, F), lambda i: (0, 0)),
        ],
        out_specs=pl.BlockSpec(memory_space=pl.ANY),
        out_shape=jax.ShapeDtypeStruct((B, L, F), jnp.float32),
        scratch_shapes=[
            pltpu.VMEM((2, TB, L, F), jnp.float32),
            pltpu.SemaphoreType.DMA((2, _NSPLIT)),
        ],
    )


def kernel(series, peaks, variance, conv_kernel, conv_bias):
    B, L, C = series.shape
    Bp, P, _ = peaks.shape
    feat = conv_kernel.shape[1]
    F = 2 * _EMBED
    NW = 32
    nb = B // NW

    cols = jnp.clip(peaks.reshape(B, P), 0, L - 1).astype(jnp.int32)
    rows_local = (np.arange(B, dtype=np.int32) % nb).repeat(P)
    ni = (B * P) // NW
    rows_hbm = jnp.asarray(rows_local).reshape(NW, ni)
    cols_hbm = cols.reshape(NW, ni)

    delta = _make_sc_scatter(B, L, B * P)(rows_hbm, cols_hbm)

    zpad = jnp.zeros((F - feat,), jnp.float32)
    W64 = jnp.concatenate([conv_kernel[0].astype(jnp.float32), zpad])
    C64 = jnp.concatenate([conv_bias.astype(jnp.float32), zpad])
    D64 = jnp.asarray(np.eye(1, F, feat, dtype=np.float32)[0])
    half = _EMBED // 2
    S64 = np.zeros((F,), np.float32)
    S64[_EMBED:_EMBED + half] = 1.0
    K64 = np.zeros((F,), np.float32)
    K64[_EMBED + half:] = 1.0
    ang = 2.0 * math.pi * np.exp(
        np.linspace(0.0, math.log(1000.0), half)).astype(np.float32)
    A64 = np.zeros((F,), np.float32)
    A64[_EMBED:_EMBED + half] = ang
    A64[_EMBED + half:] = ang
    consts = jnp.stack([
        W64, D64, C64,
        jnp.asarray(S64), jnp.asarray(K64), jnp.asarray(A64),
        jnp.zeros((F,), jnp.float32), jnp.zeros((F,), jnp.float32),
    ])

    series2d = series.reshape(B, L)
    var2d = variance.reshape(B, 1)

    TB = 8
    out = _make_tc_assemble(B, L, F, TB)(series2d, delta, var2d, consts)
    return out

# --- scband reference (transcript-rebuilt; emitter-appended) ---
"""Pipeline reference for scband-embed-inputs-32779190403521 (READ-ONLY COPY).

The authoritative reference and input builder live on the scoring server;
editing this copy changes nothing except your own understanding.
"""

import jax, jax.numpy as jnp
import numpy as np
import math

EMBED_DIMS = 32
SERIES_LENGTH = 1024


def setup_inputs(seed: int = 0) -> dict:
    key = jax.random.key(seed)
    k1, k2, k3, k4 = [jax.random.fold_in(key, i) for i in range(4)]
    B, L, C = 1024, 1024, 1
    P = 50
    series = jax.random.normal(k1, (B, L, C), dtype=jnp.float32)
    peaks = jax.random.randint(k2, (B, P, 1), 0, SERIES_LENGTH, dtype=jnp.int32)
    variance = jax.random.uniform(k3, (B, 1, 1), dtype=jnp.float32)
    feat = EMBED_DIMS - 1
    conv_kernel = jax.random.normal(k4, (C, feat), dtype=jnp.float32) / math.sqrt(C)
    conv_bias = jnp.zeros((feat,), dtype=jnp.float32)
    return {"series": series, "peaks": peaks, "variance": variance,
            "conv_kernel": conv_kernel, "conv_bias": conv_bias}


def reference(series, peaks, variance, conv_kernel, conv_bias):
    B, L, C = series.shape
    # --- SinEmbed(variance) ---
    freqs = jnp.exp(jnp.linspace(jnp.log(1.0), jnp.log(1000.0), EMBED_DIMS // 2))
    ang = 2.0 * math.pi * freqs
    ang = jnp.expand_dims(ang, 0)  # (1, EMBED_DIMS//2)
    variance_embed = jnp.concatenate([jnp.sin(ang * variance), jnp.cos(ang * variance)], axis=2)  # (B,1,EMBED_DIMS)
    variance_embed = jnp.repeat(variance_embed, L, axis=1)  # (B,L,EMBED_DIMS)
    # --- EmbedPeakLocation(peaks): scatter deltas into length-1024 series ---
    Bp, P, Cp = peaks.shape
    x = peaks.reshape(Bp, P)
    zeros = jnp.zeros(Bp * SERIES_LENGTH)
    rows = jnp.repeat(jnp.arange(Bp), P)
    cols = jnp.reshape(x, (-1,))
    non_zero_inds = jnp.ravel_multi_index((rows, cols), (Bp, SERIES_LENGTH), mode='clip')
    delta_series = jnp.reshape(zeros.at[non_zero_inds].set(1.0), (-1, SERIES_LENGTH))
    delta_series = delta_series.at[:, 0].set(0.0)
    peak_embed = jnp.expand_dims(delta_series, axis=-1)  # (B,L,1)
    # --- Conv(features=EMBED_DIMS-1, kernel_size=[1]) == pointwise matmul ---
    series_proj = jnp.einsum('blc,cf->blf', series, conv_kernel) + conv_bias  # (B,L,EMBED_DIMS-1)
    out = jnp.concatenate([series_proj, peak_embed, variance_embed], axis=2)  # (B,L,2*EMBED_DIMS)
    return out

if __name__ == "__main__":
    import jax
    _d = setup_inputs()
    print(jax.jit(kernel)(*tuple(_d.values())))

</pallas_src>

<mosaic_0001>
#map = affine_map<(d0, d1) -> (0, 0)>
module attributes {stable_mosaic.version = 14 : i64} {
  func.func @sc_scatter(%arg0: i32, %arg1: i32, %arg2: memref<32x1600xi32, #tpu.memory_space<hbm>>, %arg3: memref<32x1600xi32, #tpu.memory_space<hbm>>, %arg4: memref<1024x1024xi32, #tpu.memory_space<hbm>>, %arg5: memref<1600xi32, #tpu.memory_space<vmem>>, %arg6: memref<1600xi32, #tpu.memory_space<vmem>>, %arg7: memref<32x1024xi32, #tpu.memory_space<vmem>>) attributes {dimension_semantics = [#tpu.dimension_semantics<core_parallel>, #tpu.dimension_semantics<subcore_parallel>], iteration_bounds = array<i64: 2, 16>, scalar_prefetch = 0 : i64, scratch_operands = 3 : i64, tpu.core_type = #tpu.core_type<sc_vector_subcore>, window_params = [{transform_indices = #map}, {transform_indices = #map}, {transform_indices = #map}]} {
    %mul3A = arith.constant 2 : i32
    %mul3A_0 = arith.muli %arg1, %mul3A : i32
    %add3A = arith.addi %mul3A_0, %arg0 : i32
    "tpu.region"() ({
      %run_scoped3A = tpu.sem_alloc : memref<!tpu.dma_semaphore, #tpu.memory_space<semaphore_mem>>
      %dma_start3A = arith.constant 0 : i32
      %dma_start3A_25 = tpu.memref_slice %arg2[%add3A, %dma_start3A] : memref<32x1600xi32, #tpu.memory_space<hbm>> -> memref<1x1600xi32, #tpu.memory_space<hbm>>
      %dma_start3A_26 = tpu.memref_squeeze %dma_start3A_25 : memref<1x1600xi32, #tpu.memory_space<hbm>> -> memref<1600xi32, #tpu.memory_space<hbm>>
      %dma_start3A_27 = arith.constant 0 : i32
      %dma_start3A_28 = tpu.memref_slice %arg2[%add3A, %dma_start3A_27] : memref<32x1600xi32, #tpu.memory_space<hbm>> -> memref<1x1600xi32, #tpu.memory_space<hbm>>
      %dma_start3A_29 = tpu.memref_squeeze %dma_start3A_28 : memref<1x1600xi32, #tpu.memory_space<hbm>> -> memref<1600xi32, #tpu.memory_space<hbm>>
      tpu.enqueue_dma source(%dma_start3A_29 : memref<1600xi32, #tpu.memory_space<hbm>>) target(%arg5 : memref<1600xi32, #tpu.memory_space<vmem>>) target_semaphore(%run_scoped3A : memref<!tpu.dma_semaphore, #tpu.memory_space<semaphore_mem>>)
      %dma_wait3A = arith.constant 0 : i32
      %dma_wait3A_30 = tpu.memref_slice %arg2[%add3A, %dma_wait3A] : memref<32x1600xi32, #tpu.memory_space<hbm>> -> memref<1x1600xi32, #tpu.memory_space<hbm>>
      %dma_wait3A_31 = tpu.memref_squeeze %dma_wait3A_30 : memref<1x1600xi32, #tpu.memory_space<hbm>> -> memref<1600xi32, #tpu.memory_space<hbm>>
      %dma_wait3A_32 = arith.constant 0 : i32
      %dma_wait3A_33 = tpu.memref_slice %arg2[%add3A, %dma_wait3A_32] : memref<32x1600xi32, #tpu.memory_space<hbm>> -> memref<1x1600xi32, #tpu.memory_space<hbm>>
      %dma_wait3A_34 = tpu.memref_squeeze %dma_wait3A_33 : memref<1x1600xi32, #tpu.memory_space<hbm>> -> memref<1600xi32, #tpu.memory_space<hbm>>
      tpu.wait_dma2 semaphore(%run_scoped3A : memref<!tpu.dma_semaphore, #tpu.memory_space<semaphore_mem>>) src(%dma_wait3A_34 : memref<1600xi32, #tpu.memory_space<hbm>>) dst(%arg5 : memref<1600xi32, #tpu.memory_space<vmem>>)
      tpu.yield
    }) : () -> ()
    "tpu.region"() ({
      %run_scoped3A = tpu.sem_alloc : memref<!tpu.dma_semaphore, #tpu.memory_space<semaphore_mem>>
      %dma_start3A = arith.constant 0 : i32
      %dma_start3A_25 = tpu.memref_slice %arg3[%add3A, %dma_start3A] : memref<32x1600xi32, #tpu.memory_space<hbm>> -> memref<1x1600xi32, #tpu.memory_space<hbm>>
      %dma_start3A_26 = tpu.memref_squeeze %dma_start3A_25 : memref<1x1600xi32, #tpu.memory_space<hbm>> -> memref<1600xi32, #tpu.memory_space<hbm>>
      %dma_start3A_27 = arith.constant 0 : i32
      %dma_start3A_28 = tpu.memref_slice %arg3[%add3A, %dma_start3A_27] : memref<32x1600xi32, #tpu.memory_space<hbm>> -> memref<1x1600xi32, #tpu.memory_space<hbm>>
      %dma_start3A_29 = tpu.memref_squeeze %dma_start3A_28 : memref<1x1600xi32, #tpu.memory_space<hbm>> -> memref<1600xi32, #tpu.memory_space<hbm>>
      tpu.enqueue_dma source(%dma_start3A_29 : memref<1600xi32, #tpu.memory_space<hbm>>) target(%arg6 : memref<1600xi32, #tpu.memory_space<vmem>>) target_semaphore(%run_scoped3A : memref<!tpu.dma_semaphore, #tpu.memory_space<semaphore_mem>>)
      %dma_wait3A = arith.constant 0 : i32
      %dma_wait3A_30 = tpu.memref_slice %arg3[%add3A, %dma_wait3A] : memref<32x1600xi32, #tpu.memory_space<hbm>> -> memref<1x1600xi32, #tpu.memory_space<hbm>>
      %dma_wait3A_31 = tpu.memref_squeeze %dma_wait3A_30 : memref<1x1600xi32, #tpu.memory_space<hbm>> -> memref<1600xi32, #tpu.memory_space<hbm>>
      %dma_wait3A_32 = arith.constant 0 : i32
      %dma_wait3A_33 = tpu.memref_slice %arg3[%add3A, %dma_wait3A_32] : memref<32x1600xi32, #tpu.memory_space<hbm>> -> memref<1x1600xi32, #tpu.memory_space<hbm>>
      %dma_wait3A_34 = tpu.memref_squeeze %dma_wait3A_33 : memref<1x1600xi32, #tpu.memory_space<hbm>> -> memref<1600xi32, #tpu.memory_space<hbm>>
      tpu.wait_dma2 semaphore(%run_scoped3A : memref<!tpu.dma_semaphore, #tpu.memory_space<semaphore_mem>>) src(%dma_wait3A_34 : memref<1600xi32, #tpu.memory_space<hbm>>) dst(%arg6 : memref<1600xi32, #tpu.memory_space<vmem>>)
      tpu.yield
    }) : () -> ()
    %broadcast_in_dim3A = arith.constant 0 : i32
    %broadcast_in_dim3A_1 = vector.broadcast %broadcast_in_dim3A : i32 to vector<16xi32>
    %broadcast_in_dim3A_2 = arith.constant 1 : i32
    %broadcast_in_dim3A_3 = vector.broadcast %broadcast_in_dim3A_2 : i32 to vector<16xi32>
    %scan3A = arith.constant 0 : i32
    %scan3A_4 = arith.constant 0 : i32
    %scan3A_5 = arith.constant 2048 : i32
    %scan3A_6 = arith.addi %scan3A_4, %scan3A_5 : i32
    %scan3A_7 = arith.constant 1 : i32
    scf.for %scan3A_25 = %scan3A_4 to %scan3A_6 step %scan3A_7  : i32 {
      %jit3A = arith.constant 64 : i32
      %div3A = arith.divsi %scan3A_25, %jit3A : i32
      %sign3A = arith.constant 0 : i32
      %sign3A_26 = arith.cmpi sgt, %scan3A_25, %sign3A : i32
      %sign3A_27 = arith.extui %sign3A_26 : i1 to i32
      %sign3A_28 = arith.constant 0 : i32
      %sign3A_29 = arith.cmpi slt, %scan3A_25, %sign3A_28 : i32
      %sign3A_30 = arith.extui %sign3A_29 : i1 to i32
      %sign3A_31 = arith.subi %sign3A_27, %sign3A_30 : i32
      %sign3A_32 = arith.constant 0 : i32
      %sign3A_33 = arith.cmpi sgt, %jit3A, %sign3A_32 : i32
      %sign3A_34 = arith.extui %sign3A_33 : i1 to i32
      %sign3A_35 = arith.constant 0 : i32
      %sign3A_36 = arith.cmpi slt, %jit3A, %sign3A_35 : i32
      %sign3A_37 = arith.extui %sign3A_36 : i1 to i32
      %sign3A_38 = arith.subi %sign3A_34, %sign3A_37 : i32
      %ne3A = arith.cmpi ne, %sign3A_31, %sign3A_38 : i32
      %rem3A = arith.remsi %scan3A_25, %jit3A : i32
      %ne3A_39 = arith.constant 0 : i32
      %ne3A_40 = arith.cmpi ne, %rem3A, %ne3A_39 : i32
      %and3A = arith.andi %ne3A, %ne3A_40 : i1
      %sub3A = arith.constant 1 : i32
      %sub3A_41 = arith.subi %div3A, %sub3A : i32
      %select_n3A = arith.select %and3A, %sub3A_41, %div3A : i32
      %jit3A_42 = arith.constant 64 : i32
      %eq3A = arith.constant 0 : i32
      %eq3A_43 = arith.cmpi eq, %jit3A_42, %eq3A : i32
      %jit3A_44 = arith.constant 1 : i32
      %select_n3A_45 = arith.select %eq3A_43, %jit3A_44, %jit3A_42 : i32
      %rem3A_46 = arith.remsi %scan3A_25, %select_n3A_45 : i32
      %ne3A_47 = arith.constant 0 : i32
      %ne3A_48 = arith.cmpi ne, %rem3A_46, %ne3A_47 : i32
      %lt3A = arith.constant 0 : i32
      %lt3A_49 = arith.cmpi slt, %rem3A_46, %lt3A : i32
      %lt3A_50 = arith.constant 0 : i32
      %lt3A_51 = arith.cmpi slt, %select_n3A_45, %lt3A_50 : i32
      %ne3A_52 = arith.xori %lt3A_49, %lt3A_51 : i1
      %and3A_53 = arith.andi %ne3A_52, %ne3A_48 : i1
      %add3A_54 = arith.addi %rem3A_46, %select_n3A_45 : i32
      %select_n3A_55 = arith.select %and3A_53, %add3A_54, %rem3A_46 : i32
      %mul3A_56 = arith.constant 16 : i32
      %mul3A_57 = arith.muli %select_n3A_55, %mul3A_56 : i32
      %swap3A = arith.index_cast %select_n3A : i32 to index
      %swap3A_58 = arith.index_cast %mul3A_57 : i32 to index
      %swap3A_59 = tpu.vector_load %arg7[%swap3A, %swap3A_58] {strides = array<i32>} : memref<32x1024xi32, #tpu.memory_space<vmem>>, vector<16xi32>,
      tpu.vector_store %arg7[%swap3A, %swap3A_58], %broadcast_in_dim3A_1 {strides = array<i32>} : memref<32x1024xi32, #tpu.memory_space<vmem>>, vector<16xi32>,
    }
    %scan3A_8 = arith.constant 2048 : i32
    %scan3A_9 = arith.constant 0 : i32
    %scan3A_10 = arith.constant 0 : i32
    %scan3A_11 = arith.constant 100 : i32
    %scan3A_12 = arith.addi %scan3A_10, %scan3A_11 : i32
    %scan3A_13 = arith.constant 1 : i32
    scf.for %scan3A_25 = %scan3A_10 to %scan3A_12 step %scan3A_13  : i32 {
      %mul3A_26 = arith.constant 16 : i32
      %mul3A_27 = arith.muli %scan3A_25, %mul3A_26 : i32
      %get3A = arith.index_cast %mul3A_27 : i32 to index
      %get3A_28 = tpu.vector_load %arg5[%get3A] {strides = array<i32>} : memref<1600xi32, #tpu.memory_space<vmem>>, vector<16xi32>,
      %mul3A_29 = arith.constant 16 : i32
      %mul3A_30 = arith.muli %scan3A_25, %mul3A_29 : i32
      %get3A_31 = arith.index_cast %mul3A_30 : i32 to index
      %get3A_32 = tpu.vector_load %arg6[%get3A_31] {strides = array<i32>} : memref<1600xi32, #tpu.memory_space<vmem>>, vector<16xi32>,
      tpu.vector_store_idx %arg7[%get3A_28, %get3A_32], %broadcast_in_dim3A_3 : memref<32x1024xi32, #tpu.memory_space<vmem>>[vector<16xi32>, vector<16xi32>], vector<16xi32>,
    }
    %scan3A_14 = arith.constant 100 : i32
    %iota3A = tpu.iota {dimensions = array<i32: 0>} : vector<16xi32>
    %broadcast_in_dim3A_15 = arith.constant 0 : i32
    %broadcast_in_dim3A_16 = vector.broadcast %broadcast_in_dim3A_15 : i32 to vector<16xi32>
    %add3A_17 = arith.constant 0 : i32
    %add3A_18 = vector.broadcast %add3A_17 : i32 to vector<16xi32>
    %add3A_19 = arith.addi %iota3A, %add3A_18 : vector<16xi32>
    tpu.vector_store_idx %arg7[%add3A_19, %broadcast_in_dim3A_16], %broadcast_in_dim3A_1 : memref<32x1024xi32, #tpu.memory_space<vmem>>[vector<16xi32>, vector<16xi32>], vector<16xi32>,
    %add3A_20 = arith.constant 16 : i32
    %add3A_21 = vector.broadcast %add3A_20 : i32 to vector<16xi32>
    %add3A_22 = arith.addi %iota3A, %add3A_21 : vector<16xi32>
    tpu.vector_store_idx %arg7[%add3A_22, %broadcast_in_dim3A_16], %broadcast_in_dim3A_1 : memref<32x1024xi32, #tpu.memory_space<vmem>>[vector<16xi32>, vector<16xi32>], vector<16xi32>,
    %mul3A_23 = arith.constant 32 : i32
    %mul3A_24 = arith.muli %add3A, %mul3A_23 : i32
    "tpu.region"() ({
      %run_scoped3A = tpu.sem_alloc : memref<!tpu.dma_semaphore, #tpu.memory_space<semaphore_mem>>
      %dma_start3A = arith.constant 0 : i32
      %dma_start3A_25 = tpu.memref_slice %arg4[%mul3A_24, %dma_start3A] : memref<1024x1024xi32, #tpu.memory_space<hbm>> -> memref<32x1024xi32, #tpu.memory_space<hbm>>
      %dma_start3A_26 = arith.constant 0 : i32
      %dma_start3A_27 = tpu.memref_slice %arg4[%mul3A_24, %dma_start3A_26] : memref<1024x1024xi32, #tpu.memory_space<hbm>> -> memref<32x1024xi32, #tpu.memory_space<hbm>>
      tpu.enqueue_dma source(%arg7 : memref<32x1024xi32, #tpu.memory_space<vmem>>) target(%dma_start3A_27 : memref<32x1024xi32, #tpu.memory_space<hbm>>) target_semaphore(%run_scoped3A : memref<!tpu.dma_semaphore, #tpu.memory_space<semaphore_mem>>)
      %dma_wait3A = arith.constant 0 : i32
      %dma_wait3A_28 = tpu.memref_slice %arg4[%mul3A_24, %dma_wait3A] : memref<1024x1024xi32, #tpu.memory_space<hbm>> -> memref<32x1024xi32, #tpu.memory_space<hbm>>
      %dma_wait3A_29 = arith.constant 0 : i32
      %dma_wait3A_30 = tpu.memref_slice %arg4[%mul3A_24, %dma_wait3A_29] : memref<1024x1024xi32, #tpu.memory_space<hbm>> -> memref<32x1024xi32, #tpu.memory_space<hbm>>
      tpu.wait_dma2 semaphore(%run_scoped3A : memref<!tpu.dma_semaphore, #tpu.memory_space<semaphore_mem>>) src(%arg7 : memref<32x1024xi32, #tpu.memory_space<vmem>>) dst(%dma_wait3A_30 : memref<32x1024xi32, #tpu.memory_space<hbm>>)
      tpu.yield
    }) : () -> ()
    return
  }
}

module attributes {stable_mosaic.version = 14 : i64} {
  func.func @_tc_body(%arg0: i32, %arg1: memref<8x1024xf32, #tpu.memory_space<vmem>>, %arg2: memref<8x1024xi32, #tpu.memory_space<vmem>>, %arg3: memref<8x1xf32, #tpu.memory_space<vmem>>, %arg4: memref<8x64xf32, #tpu.memory_space<vmem>>, %arg5: memref<1024x1024x64xf32, #tpu.memory_space<any>>, %arg6: memref<2x8x1024x64xf32, #tpu.memory_space<vmem>>, %arg7: memref<2x4x!tpu.dma_semaphore, #tpu.memory_space<semaphore_mem>>) attributes {dimension_semantics = [#tpu.dimension_semantics<arbitrary>], iteration_bounds = array<i64: 128>, scalar_prefetch = 0 : i64, scratch_operands = 2 : i64, tpu.core_type = #tpu.core_type<tc>, window_params = [{transform_indices = @transform_0, window_bounds = array<i64: 8, 1024>}, {transform_indices = @transform_1, window_bounds = array<i64: 8, 1024>}, {transform_indices = @transform_2, window_bounds = array<i64: 8, 1>}, {pipeline_mode = #tpu.pipeline_mode<synchronous>, transform_indices = @transform_3, window_bounds = array<i64: 8, 64>}, {}]} {
    %rem3A = arith.constant 2 : i32
    %rem3A_0 = arith.remsi %arg0, %rem3A : i32
    %ge3A = arith.constant 2 : i32
    %ge3A_1 = arith.cmpi sge, %arg0, %ge3A : i32
    %convert_element_type3A = arith.extui %ge3A_1 : i1 to i32
    %cond3A = arith.constant 0 : i32
    %cond3A_2 = arith.cmpi ne, %convert_element_type3A, %cond3A : i32
    scf.if %cond3A_2 {
      %sub3A = arith.constant 2 : i32
      %sub3A_129 = arith.subi %arg0, %sub3A : i32
      %mul3A_130 = arith.constant 8 : i32
      %mul3A_131 = arith.muli %sub3A_129, %mul3A_130 : i32
      %add3A_132 = arith.constant 0 : i32
      %add3A_133 = arith.addi %mul3A_131, %add3A_132 : i32
      %dma_wait3A = arith.constant 0 : i32
      %dma_wait3A_134 = tpu.memref_slice %arg7[%rem3A_0, %dma_wait3A] : memref<2x4x!tpu.dma_semaphore, #tpu.memory_space<semaphore_mem>> -> memref<1x1x!tpu.dma_semaphore, #tpu.memory_space<semaphore_mem>>
      %dma_wait3A_135 = tpu.memref_squeeze %dma_wait3A_134 : memref<1x1x!tpu.dma_semaphore, #tpu.memory_space<semaphore_mem>> -> memref<!tpu.dma_semaphore, #tpu.memory_space<semaphore_mem>>
      %dma_wait3A_136 = arith.constant 0 : i32
      %dma_wait3A_137 = arith.constant 0 : i32
      %dma_wait3A_138 = tpu.memref_slice %arg5[%add3A_133, %dma_wait3A_136, %dma_wait3A_137] : memref<1024x1024x64xf32, #tpu.memory_space<any>> -> memref<2x1024x64xf32, #tpu.memory_space<any>>
      %dma_wait3A_139 = arith.constant 0 : i32
      %dma_wait3A_140 = arith.constant 0 : i32
      %dma_wait3A_141 = arith.constant 0 : i32
      %dma_wait3A_142 = tpu.memref_slice %arg6[%rem3A_0, %dma_wait3A_139, %dma_wait3A_140, %dma_wait3A_141] : memref<2x8x1024x64xf32, #tpu.memory_space<vmem>> -> memref<1x2x1024x64xf32, #tpu.memory_space<vmem>>
      %dma_wait3A_143 = tpu.memref_squeeze %dma_wait3A_142 : memref<1x2x1024x64xf32, #tpu.memory_space<vmem>> -> memref<2x1024x64xf32, #tpu.memory_space<vmem>>
      tpu.wait_dma2 semaphore(%dma_wait3A_135 : memref<!tpu.dma_semaphore, #tpu.memory_space<semaphore_mem>>) src(%dma_wait3A_143 : memref<2x1024x64xf32, #tpu.memory_space<vmem>>) dst(%dma_wait3A_138 : memref<2x1024x64xf32, #tpu.memory_space<any>>)
      %sub3A_144 = arith.constant 2 : i32
      %sub3A_145 = arith.subi %arg0, %sub3A_144 : i32
      %mul3A_146 = arith.constant 8 : i32
      %mul3A_147 = arith.muli %sub3A_145, %mul3A_146 : i32
      %add3A_148 = arith.constant 2 : i32
      %add3A_149 = arith.addi %mul3A_147, %add3A_148 : i32
      %dma_wait3A_150 = arith.constant 1 : i32
      %dma_wait3A_151 = tpu.memref_slice %arg7[%rem3A_0, %dma_wait3A_150] : memref<2x4x!tpu.dma_semaphore, #tpu.memory_space<semaphore_mem>> -> memref<1x1x!tpu.dma_semaphore, #tpu.memory_space<semaphore_mem>>
      %dma_wait3A_152 = tpu.memref_squeeze %dma_wait3A_151 : memref<1x1x!tpu.dma_semaphore, #tpu.memory_space<semaphore_mem>> -> memref<!tpu.dma_semaphore, #tpu.memory_space<semaphore_mem>>
      %dma_wait3A_153 = arith.constant 0 : i32
      %dma_wait3A_154 = arith.constant 0 : i32
      %dma_wait3A_155 = tpu.memref_slice %arg5[%add3A_149, %dma_wait3A_153, %dma_wait3A_154] : memref<1024x1024x64xf32, #tpu.memory_space<any>> -> memref<2x1024x64xf32, #tpu.memory_space<any>>
      %dma_wait3A_156 = arith.constant 2 : i32
      %dma_wait3A_157 = arith.constant 0 : i32
      %dma_wait3A_158 = arith.constant 0 : i32
      %dma_wait3A_159 = tpu.memref_slice %arg6[%rem3A_0, %dma_wait3A_156, %dma_wait3A_157, %dma_wait3A_158] : memref<2x8x1024x64xf32, #tpu.memory_space<vmem>> -> memref<1x2x1024x64xf32, #tpu.memory_space<vmem>>
      %dma_wait3A_160 = tpu.memref_squeeze %dma_wait3A_159 : memref<1x2x1024x64xf32, #tpu.memory_space<vmem>> -> memref<2x1024x64xf32, #tpu.memory_space<vmem>>
      tpu.wait_dma2 semaphore(%dma_wait3A_152 : memref<!tpu.dma_semaphore, #tpu.memory_space<semaphore_mem>>) src(%dma_wait3A_160 : memref<2x1024x64xf32, #tpu.memory_space<vmem>>) dst(%dma_wait3A_155 : memref<2x1024x64xf32, #tpu.memory_space<any>>)
      %sub3A_161 = arith.constant 2 : i32
      %sub3A_162 = arith.subi %arg0, %sub3A_161 : i32
      %mul3A_163 = arith.constant 8 : i32
      %mul3A_164 = arith.muli %sub3A_162, %mul3A_163 : i32
      %add3A_165 = arith.constant 4 : i32
      %add3A_166 = arith.addi %mul3A_164, %add3A_165 : i32
      %dma_wait3A_167 = arith.constant 2 : i32
      %dma_wait3A_168 = tpu.memref_slice %arg7[%rem3A_0, %dma_wait3A_167] : memref<2x4x!tpu.dma_semaphore, #tpu.memory_space<semaphore_mem>> -> memref<1x1x!tpu.dma_semaphore, #tpu.memory_space<semaphore_mem>>
      %dma_wait3A_169 = tpu.memref_squeeze %dma_wait3A_168 : memref<1x1x!tpu.dma_semaphore, #tpu.memory_space<semaphore_mem>> -> memref<!tpu.dma_semaphore, #tpu.memory_space<semaphore_mem>>
      %dma_wait3A_170 = arith.constant 0 : i32
      %dma_wait3A_171 = arith.constant 0 : i32
      %dma_wait3A_172 = tpu.memref_slice %arg5[%add3A_166, %dma_wait3A_170, %dma_wait3A_171] : memref<1024x1024x64xf32, #tpu.memory_space<any>> -> memref<2x1024x64xf32, #tpu.memory_space<any>>
      %dma_wait3A_173 = arith.constant 4 : i32
      %dma_wait3A_174 = arith.constant 0 : i32
      %dma_wait3A_175 = arith.constant 0 : i32
      %dma_wait3A_176 = tpu.memref_slice %arg6[%rem3A_0, %dma_wait3A_173, %dma_wait3A_174, %dma_wait3A_175] : memref<2x8x1024x64xf32, #tpu.memory_space<vmem>> -> memref<1x2x1024x64xf32, #tpu.memory_space<vmem>>
      %dma_wait3A_177 = tpu.memref_squeeze %dma_wait3A_176 : memref<1x2x1024x64xf32, #tpu.memory_space<vmem>> -> memref<2x1024x64xf32, #tpu.memory_space<vmem>>
      tpu.wait_dma2 semaphore(%dma_wait3A_169 : memref<!tpu.dma_semaphore, #tpu.memory_space<semaphore_mem>>) src(%dma_wait3A_177 : memref<2x1024x64xf32, #tpu.memory_space<vmem>>) dst(%dma_wait3A_172 : memref<2x1024x64xf32, #tpu.memory_space<any>>)
      %sub3A_178 = arith.constant 2 : i32
      %sub3A_179 = arith.subi %arg0, %sub3A_178 : i32
      %mul3A_180 = arith.constant 8 : i32
      %mul3A_181 = arith.muli %sub3A_179, %mul3A_180 : i32
      %add3A_182 = arith.constant 6 : i32
      %add3A_183 = arith.addi %mul3A_181, %add3A_182 : i32
      %dma_wait3A_184 = arith.constant 3 : i32
      %dma_wait3A_185 = tpu.memref_slice %arg7[%rem3A_0, %dma_wait3A_184] : memref<2x4x!tpu.dma_semaphore, #tpu.memory_space<semaphore_mem>> -> memref<1x1x!tpu.dma_semaphore, #tpu.memory_space<semaphore_mem>>
      %dma_wait3A_186 = tpu.memref_squeeze %dma_wait3A_185 : memref<1x1x!tpu.dma_semaphore, #tpu.memory_space<semaphore_mem>> -> memref<!tpu.dma_semaphore, #tpu.memory_space<semaphore_mem>>
      %dma_wait3A_187 = arith.constant 0 : i32
      %dma_wait3A_188 = arith.constant 0 : i32
      %dma_wait3A_189 = tpu.memref_slice %arg5[%add3A_183, %dma_wait3A_187, %dma_wait3A_188] : memref<1024x1024x64xf32, #tpu.memory_space<any>> -> memref<2x1024x64xf32, #tpu.memory_space<any>>
      %dma_wait3A_190 = arith.constant 6 : i32
      %dma_wait3A_191 = arith.constant 0 : i32
      %dma_wait3A_192 = arith.constant 0 : i32
      %dma_wait3A_193 = tpu.memref_slice %arg6[%rem3A_0, %dma_wait3A_190, %dma_wait3A_191, %dma_wait3A_192] : memref<2x8x1024x64xf32, #tpu.memory_space<vmem>> -> memref<1x2x1024x64xf32, #tpu.memory_space<vmem>>
      %dma_wait3A_194 = tpu.memref_squeeze %dma_wait3A_193 : memref<1x2x1024x64xf32, #tpu.memory_space<vmem>> -> memref<2x1024x64xf32, #tpu.memory_space<vmem>>
      tpu.wait_dma2 semaphore(%dma_wait3A_186 : memref<!tpu.dma_semaphore, #tpu.memory_space<semaphore_mem>>) src(%dma_wait3A_194 : memref<2x1024x64xf32, #tpu.memory_space<vmem>>) dst(%dma_wait3A_189 : memref<2x1024x64xf32, #tpu.memory_space<any>>)
    } else {
    }
    %get3A = arith.constant 0 : index
    %get3A_3 = arith.constant 0 : index
    %get3A_4 = vector.load %arg1[%get3A, %get3A_3] : memref<8x1024xf32, #tpu.memory_space<vmem>>, vector<8x1024xf32>
    %get3A_5 = arith.constant 0 : index
    %get3A_6 = arith.constant 0 : index
    %get3A_7 = vector.load %arg2[%get3A_5, %get3A_6] : memref<8x1024xi32, #tpu.memory_space<vmem>>, vector<8x1024xi32>
    %get3A_8 = arith.constant 0 : index
    %get3A_9 = arith.constant 0 : index
    %get3A_10 = vector.load %arg3[%get3A_8, %get3A_9] : memref<8x1xf32, #tpu.memory_space<vmem>>, vector<8x1xf32>
    %get3A_11 = arith.constant 0 : index
    %get3A_12 = arith.constant 0 : index
    %get3A_13 = vector.load %arg4[%get3A_11, %get3A_12] : memref<8x64xf32, #tpu.memory_space<vmem>>, vector<1x64xf32>
    %reshape3A = vector.shape_cast %get3A_13 : vector<1x64xf32> to vector<1x1x64xf32>
    %get3A_14 = arith.constant 2 : index
    %get3A_15 = arith.constant 0 : index
    %get3A_16 = vector.load %arg4[%get3A_14, %get3A_15] : memref<8x64xf32, #tpu.memory_space<vmem>>, vector<1x64xf32>
    %reshape3A_17 = vector.shape_cast %get3A_16 : vector<1x64xf32> to vector<1x1x64xf32>
    %get3A_18 = arith.constant 3 : index
    %get3A_19 = arith.constant 0 : index
    %get3A_20 = vector.load %arg4[%get3A_18, %get3A_19] : memref<8x64xf32, #tpu.memory_space<vmem>>, vector<1x64xf32>
    %reshape3A_21 = vector.shape_cast %get3A_20 : vector<1x64xf32> to vector<1x1x64xf32>
    %get3A_22 = arith.constant 4 : index
    %get3A_23 = arith.constant 0 : index
    %get3A_24 = vector.load %arg4[%get3A_22, %get3A_23] : memref<8x64xf32, #tpu.memory_space<vmem>>, vector<1x64xf32>
    %reshape3A_25 = vector.shape_cast %get3A_24 : vector<1x64xf32> to vector<1x1x64xf32>
    %get3A_26 = arith.constant 5 : index
    %get3A_27 = arith.constant 0 : index
    %get3A_28 = vector.load %arg4[%get3A_26, %get3A_27] : memref<8x64xf32, #tpu.memory_space<vmem>>, vector<1x64xf32>
    %reshape3A_29 = vector.shape_cast %get3A_28 : vector<1x64xf32> to vector<1x1x64xf32>
    %reshape3A_30 = vector.shape_cast %get3A_10 : vector<8x1xf32> to vector<8x1x1xf32>
    %mul3A = vector.broadcast %reshape3A_29 : vector<1x1x64xf32> to vector<8x1x64xf32>
    %mul3A_31 = vector.broadcast %reshape3A_30 : vector<8x1x1xf32> to vector<8x1x64xf32>
    %mul3A_32 = arith.mulf %mul3A, %mul3A_31 : vector<8x1x64xf32>
    %sin3A = math.sin %mul3A_32 : vector<8x1x64xf32>
    %mul3A_33 = vector.broadcast %reshape3A_21 : vector<1x1x64xf32> to vector<8x1x64xf32>
    %mul3A_34 = arith.mulf %mul3A_33, %sin3A : vector<8x1x64xf32>
    %add3A = vector.broadcast %reshape3A_17 : vector<1x1x64xf32> to vector<8x1x64xf32>
    %add3A_35 = arith.addf %add3A, %mul3A_34 : vector<8x1x64xf32>
    %cos3A = math.cos %mul3A_32 : vector<8x1x64xf32>
    %mul3A_36 = vector.broadcast %reshape3A_25 : vector<1x1x64xf32> to vector<8x1x64xf32>
    %mul3A_37 = arith.mulf %mul3A_36, %cos3A : vector<8x1x64xf32>
    %add3A_38 = arith.addf %add3A_35, %mul3A_37 : vector<8x1x64xf32>
    %bitcast_convert_type3A = tpu.bitcast %get3A_4 : vector<8x1024xf32> -> vector<8x1024xi32>
    %and3A = arith.constant -2 : i32
    %and3A_39 = vector.broadcast %and3A : i32 to vector<8x1024xi32>
    %and3A_40 = arith.andi %bitcast_convert_type3A, %and3A_39 : vector<8x1024xi32>
    %or3A = arith.ori %and3A_40, %get3A_7 : vector<8x1024xi32>
    %broadcast_in_dim3A = vector.shape_cast %or3A : vector<8x1024xi32> to vector<8x1024x1xi32>
    %broadcast_in_dim3A_41 = arith.constant 0 : i32
    %broadcast_in_dim3A_42 = vector.broadcast %broadcast_in_dim3A_41 : i32 to vector<1x1x64xi32>
    %or3A_43 = vector.broadcast %broadcast_in_dim3A : vector<8x1024x1xi32> to vector<8x1024x64xi32>
    %or3A_44 = vector.broadcast %broadcast_in_dim3A_42 : vector<1x1x64xi32> to vector<8x1024x64xi32>
    %or3A_45 = arith.ori %or3A_43, %or3A_44 : vector<8x1024x64xi32>
    %bitcast_convert_type3A_46 = tpu.bitcast %or3A_45 : vector<8x1024x64xi32> -> vector<8x1024x64xf32>
    %mul3A_47 = vector.broadcast %reshape3A : vector<1x1x64xf32> to vector<8x1024x64xf32>
    %mul3A_48 = arith.mulf %bitcast_convert_type3A_46, %mul3A_47 : vector<8x1024x64xf32>
    %add3A_49 = vector.broadcast %add3A_38 : vector<8x1x64xf32> to vector<8x1024x64xf32>
    %add3A_50 = arith.addf %mul3A_48, %add3A_49 : vector<8x1024x64xf32>
    %and3A_51 = arith.constant 1 : i32
    %and3A_52 = vector.broadcast %and3A_51 : i32 to vector<8x1024x64xi32>
    %and3A_53 = arith.andi %or3A_45, %and3A_52 : vector<8x1024x64xi32>
    %convert_element_type3A_54 = arith.sitofp %and3A_53 : vector<8x1024x64xi32> to vector<8x1024x64xf32>
    %iota3A = tpu.iota {dimensions = array<i32: 2>} : vector<1x1x64xi32>
    %eq3A = arith.constant 31 : i32
    %eq3A_55 = vector.broadcast %eq3A : i32 to vector<1x1x64xi32>
    %eq3A_56 = arith.cmpi eq, %iota3A, %eq3A_55 : vector<1x1x64xi32>
    %broadcast_in_dim3A_57 = vector.shape_cast %eq3A_56 : vector<1x1x64xi1> to vector<1x1x64xi1>
    %broadcast_in_dim3A_58 = vector.broadcast %broadcast_in_dim3A_57 : vector<1x1x64xi1> to vector<8x1024x64xi1>
    %select_n3A = arith.select %broadcast_in_dim3A_58, %convert_element_type3A_54, %add3A_50 : vector<8x1024x64xi1>, vector<8x1024x64xf32>
    %swap3A = arith.index_cast %rem3A_0 : i32 to index
    %swap3A_59 = arith.constant 0 : index
    %swap3A_60 = arith.constant 0 : index
    %swap3A_61 = arith.constant 0 : index
    %swap3A_62 = vector.load %arg6[%swap3A, %swap3A_59, %swap3A_60, %swap3A_61] : memref<2x8x1024x64xf32, #tpu.memory_space<vmem>>, vector<1x8x1024x64xf32>
    %swap3A_63 = vector.shape_cast %swap3A_62 : vector<1x8x1024x64xf32> to vector<8x1024x64xf32>
    %swap3A_64 = vector.shape_cast %select_n3A : vector<8x1024x64xf32> to vector<1x8x1024x64xf32>
    tpu.vector_store %arg6[%swap3A, %swap3A_59, %swap3A_60, %swap3A_61], %swap3A_64 {strides = array<i32>} : memref<2x8x1024x64xf32, #tpu.memory_space<vmem>>, vector<1x8x1024x64xf32>,
    %mul3A_65 = arith.constant 8 : i32
    %mul3A_66 = arith.muli %arg0, %mul3A_65 : i32
    %add3A_67 = arith.constant 0 : i32
    %add3A_68 = arith.addi %mul3A_66, %add3A_67 : i32
    %dma_start3A = arith.constant 0 : i32
    %dma_start3A_69 = tpu.memref_slice %arg7[%rem3A_0, %dma_start3A] : memref<2x4x!tpu.dma_semaphore, #tpu.memory_space<semaphore_mem>> -> memref<1x1x!tpu.dma_semaphore, #tpu.memory_space<semaphore_mem>>
    %dma_start3A_70 = tpu.memref_squeeze %dma_start3A_69 : memref<1x1x!tpu.dma_semaphore, #tpu.memory_space<semaphore_mem>> -> memref<!tpu.dma_semaphore, #tpu.memory_space<semaphore_mem>>
    %dma_start3A_71 = arith.constant 0 : i32
    %dma_start3A_72 = arith.constant 0 : i32
    %dma_start3A_73 = tpu.memref_slice %arg5[%add3A_68, %dma_start3A_71, %dma_start3A_72] : memref<1024x1024x64xf32, #tpu.memory_space<any>> -> memref<2x1024x64xf32, #tpu.memory_space<any>>
    %dma_start3A_74 = arith.constant 0 : i32
    %dma_start3A_75 = arith.constant 0 : i32
    %dma_start3A_76 = arith.constant 0 : i32
    %dma_start3A_77 = tpu.memref_slice %arg6[%rem3A_0, %dma_start3A_74, %dma_start3A_75, %dma_start3A_76] : memref<2x8x1024x64xf32, #tpu.memory_space<vmem>> -> memref<1x2x1024x64xf32, #tpu.memory_space<vmem>>
    %dma_start3A_78 = tpu.memref_squeeze %dma_start3A_77 : memref<1x2x1024x64xf32, #tpu.memory_space<vmem>> -> memref<2x1024x64xf32, #tpu.memory_space<vmem>>
    tpu.enqueue_dma source(%dma_start3A_78 : memref<2x1024x64xf32, #tpu.memory_space<vmem>>) target(%dma_start3A_73 : memref<2x1024x64xf32, #tpu.memory_space<any>>) target_semaphore(%dma_start3A_70 : memref<!tpu.dma_semaphore, #tpu.memory_space<semaphore_mem>>)
    %mul3A_79 = arith.constant 8 : i32
    %mul3A_80 = arith.muli %arg0, %mul3A_79 : i32
    %add3A_81 = arith.constant 2 : i32
    %add3A_82 = arith.addi %mul3A_80, %add3A_81 : i32
    %dma_start3A_83 = arith.constant 1 : i32
    %dma_start3A_84 = tpu.memref_slice %arg7[%rem3A_0, %dma_start3A_83] : memref<2x4x!tpu.dma_semaphore, #tpu.memory_space<semaphore_mem>> -> memref<1x1x!tpu.dma_semaphore, #tpu.memory_space<semaphore_mem>>
    %dma_start3A_85 = tpu.memref_squeeze %dma_start3A_84 : memref<1x1x!tpu.dma_semaphore, #tpu.memory_space<semaphore_mem>> -> memref<!tpu.dma_semaphore, #tpu.memory_space<semaphore_mem>>
    %dma_start3A_86 = arith.constant 0 : i32
    %dma_start3A_87 = arith.constant 0 : i32
    %dma_start3A_88 = tpu.memref_slice %arg5[%add3A_82, %dma_start3A_86, %dma_start3A_87] : memref<1024x1024x64xf32, #tpu.memory_space<any>> -> memref<2x1024x64xf32, #tpu.memory_space<any>>
    %dma_start3A_89 = arith.constant 2 : i32
    %dma_start3A_90 = arith.constant 0 : i32
    %dma_start3A_91 = arith.constant 0 : i32
    %dma_start3A_92 = tpu.memref_slice %arg6[%rem3A_0, %dma_start3A_89, %dma_start3A_90, %dma_start3A_91] : memref<2x8x1024x64xf32, #tpu.memory_space<vmem>> -> memref<1x2x1024x64xf32, #tpu.memory_space<vmem>>
    %dma_start3A_93 = tpu.memref_squeeze %dma_start3A_92 : memref<1x2x1024x64xf32, #tpu.memory_space<vmem>> -> memref<2x1024x64xf32, #tpu.memory_space<vmem>>
    tpu.enqueue_dma source(%dma_start3A_93 : memref<2x1024x64xf32, #tpu.memory_space<vmem>>) target(%dma_start3A_88 : memref<2x1024x64xf32, #tpu.memory_space<any>>) target_semaphore(%dma_start3A_85 : memref<!tpu.dma_semaphore, #tpu.memory_space<semaphore_mem>>)
    %mul3A_94 = arith.constant 8 : i32
    %mul3A_95 = arith.muli %arg0, %mul3A_94 : i32
    %add3A_96 = arith.constant 4 : i32
    %add3A_97 = arith.addi %mul3A_95, %add3A_96 : i32
    %dma_start3A_98 = arith.constant 2 : i32
    %dma_start3A_99 = tpu.memref_slice %arg7[%rem3A_0, %dma_start3A_98] : memref<2x4x!tpu.dma_semaphore, #tpu.memory_space<semaphore_mem>> -> memref<1x1x!tpu.dma_semaphore, #tpu.memory_space<semaphore_mem>>
    %dma_start3A_100 = tpu.memref_squeeze %dma_start3A_99 : memref<1x1x!tpu.dma_semaphore, #tpu.memory_space<semaphore_mem>> -> memref<!tpu.dma_semaphore, #tpu.memory_space<semaphore_mem>>
    %dma_start3A_101 = arith.constant 0 : i32
    %dma_start3A_102 = arith.constant 0 : i32
    %dma_start3A_103 = tpu.memref_slice %arg5[%add3A_97, %dma_start3A_101, %dma_start3A_102] : memref<1024x1024x64xf32, #tpu.memory_space<any>> -> memref<2x1024x64xf32, #tpu.memory_space<any>>
    %dma_start3A_104 = arith.constant 4 : i32
    %dma_start3A_105 = arith.constant 0 : i32
    %dma_start3A_106 = arith.constant 0 : i32
    %dma_start3A_107 = tpu.memref_slice %arg6[%rem3A_0, %dma_start3A_104, %dma_start3A_105, %dma_start3A_106] : memref<2x8x1024x64xf32, #tpu.memory_space<vmem>> -> memref<1x2x1024x64xf32, #tpu.memory_space<vmem>>
    %dma_start3A_108 = tpu.memref_squeeze %dma_start3A_107 : memref<1x2x1024x64xf32, #tpu.memory_space<vmem>> -> memref<2x1024x64xf32, #tpu.memory_space<vmem>>
    tpu.enqueue_dma source(%dma_start3A_108 : memref<2x1024x64xf32, #tpu.memory_space<vmem>>) target(%dma_start3A_103 : memref<2x1024x64xf32, #tpu.memory_space<any>>) target_semaphore(%dma_start3A_100 : memref<!tpu.dma_semaphore, #tpu.memory_space<semaphore_mem>>)
    %mul3A_109 = arith.constant 8 : i32
    %mul3A_110 = arith.muli %arg0, %mul3A_109 : i32
    %add3A_111 = arith.constant 6 : i32
    %add3A_112 = arith.addi %mul3A_110, %add3A_111 : i32
    %dma_start3A_113 = arith.constant 3 : i32
    %dma_start3A_114 = tpu.memref_slice %arg7[%rem3A_0, %dma_start3A_113] : memref<2x4x!tpu.dma_semaphore, #tpu.memory_space<semaphore_mem>> -> memref<1x1x!tpu.dma_semaphore, #tpu.memory_space<semaphore_mem>>
    %dma_start3A_115 = tpu.memref_squeeze %dma_start3A_114 : memref<1x1x!tpu.dma_semaphore, #tpu.memory_space<semaphore_mem>> -> memref<!tpu.dma_semaphore, #tpu.memory_space<semaphore_mem>>
    %dma_start3A_116 = arith.constant 0 : i32
    %dma_start3A_117 = arith.constant 0 : i32
    %dma_start3A_118 = tpu.memref_slice %arg5[%add3A_112, %dma_start3A_116, %dma_start3A_117] : memref<1024x1024x64xf32, #tpu.memory_space<any>> -> memref<2x1024x64xf32, #tpu.memory_space<any>>
    %dma_start3A_119 = arith.constant 6 : i32
    %dma_start3A_120 = arith.constant 0 : i32
    %dma_start3A_121 = arith.constant 0 : i32
    %dma_start3A_122 = tpu.memref_slice %arg6[%rem3A_0, %dma_start3A_119, %dma_start3A_120, %dma_start3A_121] : memref<2x8x1024x64xf32, #tpu.memory_space<vmem>> -> memref<1x2x1024x64xf32, #tpu.memory_space<vmem>>
    %dma_start3A_123 = tpu.memref_squeeze %dma_start3A_122 : memref<1x2x1024x64xf32, #tpu.memory_space<vmem>> -> memref<2x1024x64xf32, #tpu.memory_space<vmem>>
    tpu.enqueue_dma source(%dma_start3A_123 : memref<2x1024x64xf32, #tpu.memory_space<vmem>>) target(%dma_start3A_118 : memref<2x1024x64xf32, #tpu.memory_space<any>>) target_semaphore(%dma_start3A_115 : memref<!tpu.dma_semaphore, #tpu.memory_space<semaphore_mem>>)
    %eq3A_124 = arith.constant 127 : i32
    %eq3A_125 = arith.cmpi eq, %arg0, %eq3A_124 : i32
    %convert_element_type3A_126 = arith.extui %eq3A_125 : i1 to i32
    %cond3A_127 = arith.constant 0 : i32
    %cond3A_128 = arith.cmpi ne, %convert_element_type3A_126, %cond3A_127 : i32
    scf.if %cond3A_128 {
      %mul3A_129 = arith.constant 8 : i32
      %mul3A_130 = arith.muli %arg0, %mul3A_129 : i32
      %add3A_131 = arith.constant 0 : i32
      %add3A_132 = arith.addi %mul3A_130, %add3A_131 : i32
      %dma_wait3A = arith.constant 0 : i32
      %dma_wait3A_133 = tpu.memref_slice %arg7[%rem3A_0, %dma_wait3A] : memref<2x4x!tpu.dma_semaphore, #tpu.memory_space<semaphore_mem>> -> memref<1x1x!tpu.dma_semaphore, #tpu.memory_space<semaphore_mem>>
      %dma_wait3A_134 = tpu.memref_squeeze %dma_wait3A_133 : memref<1x1x!tpu.dma_semaphore, #tpu.memory_space<semaphore_mem>> -> memref<!tpu.dma_semaphore, #tpu.memory_space<semaphore_mem>>
      %dma_wait3A_135 = arith.constant 0 : i32
      %dma_wait3A_136 = arith.constant 0 : i32
      %dma_wait3A_137 = tpu.memref_slice %arg5[%add3A_132, %dma_wait3A_135, %dma_wait3A_136] : memref<1024x1024x64xf32, #tpu.memory_space<any>> -> memref<2x1024x64xf32, #tpu.memory_space<any>>
      %dma_wait3A_138 = arith.constant 0 : i32
      %dma_wait3A_139 = arith.constant 0 : i32
      %dma_wait3A_140 = arith.constant 0 : i32
      %dma_wait3A_141 = tpu.memref_slice %arg6[%rem3A_0, %dma_wait3A_138, %dma_wait3A_139, %dma_wait3A_140] : memref<2x8x1024x64xf32, #tpu.memory_space<vmem>> -> memref<1x2x1024x64xf32, #tpu.memory_space<vmem>>
      %dma_wait3A_142 = tpu.memref_squeeze %dma_wait3A_141 : memref<1x2x1024x64xf32, #tpu.memory_space<vmem>> -> memref<2x1024x64xf32, #tpu.memory_space<vmem>>
      tpu.wait_dma2 semaphore(%dma_wait3A_134 : memref<!tpu.dma_semaphore, #tpu.memory_space<semaphore_mem>>) src(%dma_wait3A_142 : memref<2x1024x64xf32, #tpu.memory_space<vmem>>) dst(%dma_wait3A_137 : memref<2x1024x64xf32, #tpu.memory_space<any>>)
      %mul3A_143 = arith.constant 8 : i32
      %mul3A_144 = arith.muli %arg0, %mul3A_143 : i32
      %add3A_145 = arith.constant 2 : i32
      %add3A_146 = arith.addi %mul3A_144, %add3A_145 : i32
      %dma_wait3A_147 = arith.constant 1 : i32
      %dma_wait3A_148 = tpu.memref_slice %arg7[%rem3A_0, %dma_wait3A_147] : memref<2x4x!tpu.dma_semaphore, #tpu.memory_space<semaphore_mem>> -> memref<1x1x!tpu.dma_semaphore, #tpu.memory_space<semaphore_mem>>
      %dma_wait3A_149 = tpu.memref_squeeze %dma_wait3A_148 : memref<1x1x!tpu.dma_semaphore, #tpu.memory_space<semaphore_mem>> -> memref<!tpu.dma_semaphore, #tpu.memory_space<semaphore_mem>>
      %dma_wait3A_150 = arith.constant 0 : i32
      %dma_wait3A_151 = arith.constant 0 : i32
      %dma_wait3A_152 = tpu.memref_slice %arg5[%add3A_146, %dma_wait3A_150, %dma_wait3A_151] : memref<1024x1024x64xf32, #tpu.memory_space<any>> -> memref<2x1024x64xf32, #tpu.memory_space<any>>
      %dma_wait3A_153 = arith.constant 2 : i32
      %dma_wait3A_154 = arith.constant 0 : i32
      %dma_wait3A_155 = arith.constant 0 : i32
      %dma_wait3A_156 = tpu.memref_slice %arg6[%rem3A_0, %dma_wait3A_153, %dma_wait3A_154, %dma_wait3A_155] : memref<2x8x1024x64xf32, #tpu.memory_space<vmem>> -> memref<1x2x1024x64xf32, #tpu.memory_space<vmem>>
      %dma_wait3A_157 = tpu.memref_squeeze %dma_wait3A_156 : memref<1x2x1024x64xf32, #tpu.memory_space<vmem>> -> memref<2x1024x64xf32, #tpu.memory_space<vmem>>
      tpu.wait_dma2 semaphore(%dma_wait3A_149 : memref<!tpu.dma_semaphore, #tpu.memory_space<semaphore_mem>>) src(%dma_wait3A_157 : memref<2x1024x64xf32, #tpu.memory_space<vmem>>) dst(%dma_wait3A_152 : memref<2x1024x64xf32, #tpu.memory_space<any>>)
      %mul3A_158 = arith.constant 8 : i32
      %mul3A_159 = arith.muli %arg0, %mul3A_158 : i32
      %add3A_160 = arith.constant 4 : i32
      %add3A_161 = arith.addi %mul3A_159, %add3A_160 : i32
      %dma_wait3A_162 = arith.constant 2 : i32
      %dma_wait3A_163 = tpu.memref_slice %arg7[%rem3A_0, %dma_wait3A_162] : memref<2x4x!tpu.dma_semaphore, #tpu.memory_space<semaphore_mem>> -> memref<1x1x!tpu.dma_semaphore, #tpu.memory_space<semaphore_mem>>
      %dma_wait3A_164 = tpu.memref_squeeze %dma_wait3A_163 : memref<1x1x!tpu.dma_semaphore, #tpu.memory_space<semaphore_mem>> -> memref<!tpu.dma_semaphore, #tpu.memory_space<semaphore_mem>>
      %dma_wait3A_165 = arith.constant 0 : i32
      %dma_wait3A_166 = arith.constant 0 : i32
      %dma_wait3A_167 = tpu.memref_slice %arg5[%add3A_161, %dma_wait3A_165, %dma_wait3A_166] : memref<1024x1024x64xf32, #tpu.memory_space<any>> -> memref<2x1024x64xf32, #tpu.memory_space<any>>
      %dma_wait3A_168 = arith.constant 4 : i32
      %dma_wait3A_169 = arith.constant 0 : i32
      %dma_wait3A_170 = arith.constant 0 : i32
      %dma_wait3A_171 = tpu.memref_slice %arg6[%rem3A_0, %dma_wait3A_168, %dma_wait3A_169, %dma_wait3A_170] : memref<2x8x1024x64xf32, #tpu.memory_space<vmem>> -> memref<1x2x1024x64xf32, #tpu.memory_space<vmem>>
      %dma_wait3A_172 = tpu.memref_squeeze %dma_wait3A_171 : memref<1x2x1024x64xf32, #tpu.memory_space<vmem>> -> memref<2x1024x64xf32, #tpu.memory_space<vmem>>
      tpu.wait_dma2 semaphore(%dma_wait3A_164 : memref<!tpu.dma_semaphore, #tpu.memory_space<semaphore_mem>>) src(%dma_wait3A_172 : memref<2x1024x64xf32, #tpu.memory_space<vmem>>) dst(%dma_wait3A_167 : memref<2x1024x64xf32, #tpu.memory_space<any>>)
      %mul3A_173 = arith.constant 8 : i32
      %mul3A_174 = arith.muli %arg0, %mul3A_173 : i32
      %add3A_175 = arith.constant 6 : i32
      %add3A_176 = arith.addi %mul3A_174, %add3A_175 : i32
      %dma_wait3A_177 = arith.constant 3 : i32
      %dma_wait3A_178 = tpu.memref_slice %arg7[%rem3A_0, %dma_wait3A_177] : memref<2x4x!tpu.dma_semaphore, #tpu.memory_space<semaphore_mem>> -> memref<1x1x!tpu.dma_semaphore, #tpu.memory_space<semaphore_mem>>
      %dma_wait3A_179 = tpu.memref_squeeze %dma_wait3A_178 : memref<1x1x!tpu.dma_semaphore, #tpu.memory_space<semaphore_mem>> -> memref<!tpu.dma_semaphore, #tpu.memory_space<semaphore_mem>>
      %dma_wait3A_180 = arith.constant 0 : i32
      %dma_wait3A_181 = arith.constant 0 : i32
      %dma_wait3A_182 = tpu.memref_slice %arg5[%add3A_176, %dma_wait3A_180, %dma_wait3A_181] : memref<1024x1024x64xf32, #tpu.memory_space<any>> -> memref<2x1024x64xf32, #tpu.memory_space<any>>
      %dma_wait3A_183 = arith.constant 6 : i32
      %dma_wait3A_184 = arith.constant 0 : i32
      %dma_wait3A_185 = arith.constant 0 : i32
      %dma_wait3A_186 = tpu.memref_slice %arg6[%rem3A_0, %dma_wait3A_183, %dma_wait3A_184, %dma_wait3A_185] : memref<2x8x1024x64xf32, #tpu.memory_space<vmem>> -> memref<1x2x1024x64xf32, #tpu.memory_space<vmem>>
      %dma_wait3A_187 = tpu.memref_squeeze %dma_wait3A_186 : memref<1x2x1024x64xf32, #tpu.memory_space<vmem>> -> memref<2x1024x64xf32, #tpu.memory_space<vmem>>
      tpu.wait_dma2 semaphore(%dma_wait3A_179 : memref<!tpu.dma_semaphore, #tpu.memory_space<semaphore_mem>>) src(%dma_wait3A_187 : memref<2x1024x64xf32, #tpu.memory_space<vmem>>) dst(%dma_wait3A_182 : memref<2x1024x64xf32, #tpu.memory_space<any>>)
      %add3A_188 = arith.constant 1 : i32
      %add3A_189 = arith.addi %arg0, %add3A_188 : i32
      %rem3A_190 = arith.constant 2 : i32
      %rem3A_191 = arith.remsi %add3A_189, %rem3A_190 : i32
      %ge3A_192 = arith.constant 1 : i32
      %ge3A_193 = arith.cmpi sge, %arg0, %ge3A_192 : i32
      %convert_element_type3A_194 = arith.extui %ge3A_193 : i1 to i32
      %cond3A_195 = arith.constant 0 : i32
      %cond3A_196 = arith.cmpi ne, %convert_element_type3A_194, %cond3A_195 : i32
      scf.if %cond3A_196 {
        %sub3A = arith.constant 1 : i32
        %sub3A_197 = arith.subi %arg0, %sub3A : i32
        %mul3A_198 = arith.constant 8 : i32
        %mul3A_199 = arith.muli %sub3A_197, %mul3A_198 : i32
        %add3A_200 = arith.constant 0 : i32
        %add3A_201 = arith.addi %mul3A_199, %add3A_200 : i32
        %dma_wait3A_202 = arith.constant 0 : i32
        %dma_wait3A_203 = tpu.memref_slice %arg7[%rem3A_191, %dma_wait3A_202] : memref<2x4x!tpu.dma_semaphore, #tpu.memory_space<semaphore_mem>> -> memref<1x1x!tpu.dma_semaphore, #tpu.memory_space<semaphore_mem>>
        %dma_wait3A_204 = tpu.memref_squeeze %dma_wait3A_203 : memref<1x1x!tpu.dma_semaphore, #tpu.memory_space<semaphore_mem>> -> memref<!tpu.dma_semaphore, #tpu.memory_space<semaphore_mem>>
        %dma_wait3A_205 = arith.constant 0 : i32
        %dma_wait3A_206 = arith.constant 0 : i32
        %dma_wait3A_207 = tpu.memref_slice %arg5[%add3A_201, %dma_wait3A_205, %dma_wait3A_206] : memref<1024x1024x64xf32, #tpu.memory_space<any>> -> memref<2x1024x64xf32, #tpu.memory_space<any>>
        %dma_wait3A_208 = arith.constant 0 : i32
        %dma_wait3A_209 = arith.constant 0 : i32
        %dma_wait3A_210 = arith.constant 0 : i32
        %dma_wait3A_211 = tpu.memref_slice %arg6[%rem3A_191, %dma_wait3A_208, %dma_wait3A_209, %dma_wait3A_210] : memref<2x8x1024x64xf32, #tpu.memory_space<vmem>> -> memref<1x2x1024x64xf32, #tpu.memory_space<vmem>>
        %dma_wait3A_212 = tpu.memref_squeeze %dma_wait3A_211 : memref<1x2x1024x64xf32, #tpu.memory_space<vmem>> -> memref<2x1024x64xf32, #tpu.memory_space<vmem>>
        tpu.wait_dma2 semaphore(%dma_wait3A_204 : memref<!tpu.dma_semaphore, #tpu.memory_space<semaphore_mem>>) src(%dma_wait3A_212 : memref<2x1024x64xf32, #tpu.memory_space<vmem>>) dst(%dma_wait3A_207 : memref<2x1024x64xf32, #tpu.memory_space<any>>)
        %sub3A_213 = arith.constant 1 : i32
        %sub3A_214 = arith.subi %arg0, %sub3A_213 : i32
        %mul3A_215 = arith.constant 8 : i32
        %mul3A_216 = arith.muli %sub3A_214, %mul3A_215 : i32
        %add3A_217 = arith.constant 2 : i32
        %add3A_218 = arith.addi %mul3A_216, %add3A_217 : i32
        %dma_wait3A_219 = arith.constant 1 : i32
        %dma_wait3A_220 = tpu.memref_slice %arg7[%rem3A_191, %dma_wait3A_219] : memref<2x4x!tpu.dma_semaphore, #tpu.memory_space<semaphore_mem>> -> memref<1x1x!tpu.dma_semaphore, #tpu.memory_space<semaphore_mem>>
        %dma_wait3A_221 = tpu.memref_squeeze %dma_wait3A_220 : memref<1x1x!tpu.dma_semaphore, #tpu.memory_space<semaphore_mem>> -> memref<!tpu.dma_semaphore, #tpu.memory_space<semaphore_mem>>
        %dma_wait3A_222 = arith.constant 0 : i32
        %dma_wait3A_223 = arith.constant 0 : i32
        %dma_wait3A_224 = tpu.memref_slice %arg5[%add3A_218, %dma_wait3A_222, %dma_wait3A_223] : memref<1024x1024x64xf32, #tpu.memory_space<any>> -> memref<2x1024x64xf32, #tpu.memory_space<any>>
        %dma_wait3A_225 = arith.constant 2 : i32
        %dma_wait3A_226 = arith.constant 0 : i32
        %dma_wait3A_227 = arith.constant 0 : i32
        %dma_wait3A_228 = tpu.memref_slice %arg6[%rem3A_191, %dma_wait3A_225, %dma_wait3A_226, %dma_wait3A_227] : memref<2x8x1024x64xf32, #tpu.memory_space<vmem>> -> memref<1x2x1024x64xf32, #tpu.memory_space<vmem>>
        %dma_wait3A_229 = tpu.memref_squeeze %dma_wait3A_228 : memref<1x2x1024x64xf32, #tpu.memory_space<vmem>> -> memref<2x1024x64xf32, #tpu.memory_space<vmem>>
        tpu.wait_dma2 semaphore(%dma_wait3A_221 : memref<!tpu.dma_semaphore, #tpu.memory_space<semaphore_mem>>) src(%dma_wait3A_229 : memref<2x1024x64xf32, #tpu.memory_space<vmem>>) dst(%dma_wait3A_224 : memref<2x1024x64xf32, #tpu.memory_space<any>>)
        %sub3A_230 = arith.constant 1 : i32
        %sub3A_231 = arith.subi %arg0, %sub3A_230 : i32
        %mul3A_232 = arith.constant 8 : i32
        %mul3A_233 = arith.muli %sub3A_231, %mul3A_232 : i32
        %add3A_234 = arith.constant 4 : i32
        %add3A_235 = arith.addi %mul3A_233, %add3A_234 : i32
        %dma_wait3A_236 = arith.constant 2 : i32
        %dma_wait3A_237 = tpu.memref_slice %arg7[%rem3A_191, %dma_wait3A_236] : memref<2x4x!tpu.dma_semaphore, #tpu.memory_space<semaphore_mem>> -> memref<1x1x!tpu.dma_semaphore, #tpu.memory_space<semaphore_mem>>
        %dma_wait3A_238 = tpu.memref_squeeze %dma_wait3A_237 : memref<1x1x!tpu.dma_semaphore, #tpu.memory_space<semaphore_mem>> -> memref<!tpu.dma_semaphore, #tpu.memory_space<semaphore_mem>>
        %dma_wait3A_239 = arith.constant 0 : i32
        %dma_wait3A_240 = arith.constant 0 : i32
        %dma_wait3A_241 = tpu.memref_slice %arg5[%add3A_235, %dma_wait3A_239, %dma_wait3A_240] : memref<1024x1024x64xf32, #tpu.memory_space<any>> -> memref<2x1024x64xf32, #tpu.memory_space<any>>
        %dma_wait3A_242 = arith.constant 4 : i32
        %dma_wait3A_243 = arith.constant 0 : i32
        %dma_wait3A_244 = arith.constant 0 : i32
        %dma_wait3A_245 = tpu.memref_slice %arg6[%rem3A_191, %dma_wait3A_242, %dma_wait3A_243, %dma_wait3A_244] : memref<2x8x1024x64xf32, #tpu.memory_space<vmem>> -> memref<1x2x1024x64xf32, #tpu.memory_space<vmem>>
        %dma_wait3A_246 = tpu.memref_squeeze %dma_wait3A_245 : memref<1x2x1024x64xf32, #tpu.memory_space<vmem>> -> memref<2x1024x64xf32, #tpu.memory_space<vmem>>
        tpu.wait_dma2 semaphore(%dma_wait3A_238 : memref<!tpu.dma_semaphore, #tpu.memory_space<semaphore_mem>>) src(%dma_wait3A_246 : memref<2x1024x64xf32, #tpu.memory_space<vmem>>) dst(%dma_wait3A_241 : memref<2x1024x64xf32, #tpu.memory_space<any>>)
        %sub3A_247 = arith.constant 1 : i32
        %sub3A_248 = arith.subi %arg0, %sub3A_247 : i32
        %mul3A_249 = arith.constant 8 : i32
        %mul3A_250 = arith.muli %sub3A_248, %mul3A_249 : i32
        %add3A_251 = arith.constant 6 : i32
        %add3A_252 = arith.addi %mul3A_250, %add3A_251 : i32
        %dma_wait3A_253 = arith.constant 3 : i32
        %dma_wait3A_254 = tpu.memref_slice %arg7[%rem3A_191, %dma_wait3A_253] : memref<2x4x!tpu.dma_semaphore, #tpu.memory_space<semaphore_mem>> -> memref<1x1x!tpu.dma_semaphore, #tpu.memory_space<semaphore_mem>>
        %dma_wait3A_255 = tpu.memref_squeeze %dma_wait3A_254 : memref<1x1x!tpu.dma_semaphore, #tpu.memory_space<semaphore_mem>> -> memref<!tpu.dma_semaphore, #tpu.memory_space<semaphore_mem>>
        %dma_wait3A_256 = arith.constant 0 : i32
        %dma_wait3A_257 = arith.constant 0 : i32
        %dma_wait3A_258 = tpu.memref_slice %arg5[%add3A_252, %dma_wait3A_256, %dma_wait3A_257] : memref<1024x1024x64xf32, #tpu.memory_space<any>> -> memref<2x1024x64xf32, #tpu.memory_space<any>>
        %dma_wait3A_259 = arith.constant 6 : i32
        %dma_wait3A_260 = arith.constant 0 : i32
        %dma_wait3A_261 = arith.constant 0 : i32
        %dma_wait3A_262 = tpu.memref_slice %arg6[%rem3A_191, %dma_wait3A_259, %dma_wait3A_260, %dma_wait3A_261] : memref<2x8x1024x64xf32, #tpu.memory_space<vmem>> -> memref<1x2x1024x64xf32, #tpu.memory_space<vmem>>
        %dma_wait3A_263 = tpu.memref_squeeze %dma_wait3A_262 : memref<1x2x1024x64xf32, #tpu.memory_space<vmem>> -> memref<2x1024x64xf32, #tpu.memory_space<vmem>>
        tpu.wait_dma2 semaphore(%dma_wait3A_255 : memref<!tpu.dma_semaphore, #tpu.memory_space<semaphore_mem>>) src(%dma_wait3A_263 : memref<2x1024x64xf32, #tpu.memory_space<vmem>>) dst(%dma_wait3A_258 : memref<2x1024x64xf32, #tpu.memory_space<any>>)
      } else {
      }
    } else {
    }
    return
  }
  func.func @transform_0(%arg0: i32) -> (i32, i32) {
    %c0_i32 = arith.constant 0 : i32
    %c0_i32_0 = arith.constant 0 : i32
    return %arg0, %c0_i32 : i32, i32
  }
  func.func @transform_1(%arg0: i32) -> (i32, i32) {
    %c0_i32 = arith.constant 0 : i32
    %c0_i32_0 = arith.constant 0 : i32
    return %arg0, %c0_i32 : i32, i32
  }
  func.func @transform_2(%arg0: i32) -> (i32, i32) {
    %c0_i32 = arith.constant 0 : i32
    %c0_i32_0 = arith.constant 0 : i32
    return %arg0, %c0_i32 : i32, i32
  }
  func.func @transform_3(%arg0: i32) -> (i32, i32) {
    %c0_i32 = arith.constant 0 : i32
    %c0_i32_0 = arith.constant 0 : i32
    %c0_i32_1 = arith.constant 0 : i32
    return %c0_i32, %c0_i32_0 : i32, i32
  }
}

</mosaic_0001>

<sc_bundles>
// kernel: kernel.4.cloned.1.call-start
scs
__scs_entry_jumppad:
0x0: {  	(pc) =	sbr.rel $0x88, $3  }
0x1: {  	(tag) =	ssettag $0x0;
	lr =	simm.s32 $0x1  }
0x2: {  	[smem:$0x3F9C] =	sst lr;
	_ =	strace $0xD0000000  }
0x3: {  	_ = 	snop  }
0x4: {  	_ = 	snop  }
0x5: {  	_ = 	snop  }
0x6: {  	_ = 	snop  }
0x7: {  	_ = 	snop  }
__scs_overlays_trampoline_lowered:
0x8: {  	[smem:$0x3FAB] =	sst s0  }
0x9: {  	[smem:$0x3FAC] =	sst s1  }
0xa: {  	[smem:$0x3FAD] =	sst s2  }
0xb: {  	[smem:$0x3FAE] =	sst s3  }
0xc: {  	[smem:$0x3FAF] =	sst s4  }
0xd: {  	[smem:$0x3FB0] =	sst s5  }
0xe: {  	[smem:$0x3FB1] =	sst s6  }
0xf: {  	[smem:$0x3FB2] =	sst s7  }
0x10: {  	[smem:$0x3FB3] =	sst s8  }
0x11: {  	[smem:$0x3FB4] =	sst s9;
	s0 =	simm.s32 @!p0 $0x0  }
0x12: {  	s1 =	sld [smem:$0x3F9A];
	s0 =	simm.s32 @p0 $0x1  }
0x13: {  	[smem:$0x3FB5] =	sst s0;
	s0 =	simm.s32 @!p1 $0x0  }
0x14: {  	s2 =	sld [smem:$0x3F99];
	s0 =	simm.s32 @p1 $0x1  }
0x15: {  	[smem:$0x3FB6] =	sst s0;
	s0 =	simm.s32 @!p2 $0x0  }
0x16: {  	s3 =	sld [smem:$0x3FDB];
	s0 =	simm.s32 @p2 $0x1  }
0x17: {  	s4 =	simm.s32 $0x1BF5;
	[smem:$0x3FB8] =	sst s0  }
0x18: {  	s0 =	sld [smem:$0x3F9B];
	_ =	swait.ge [sflag:s4], $0x0  }
0x19: {  	s7 =	sld [smem:$0x3F9C]  }
0x1a: {  	s8 =	sadd.s32 $0xFFFFE003, lr  }
0x1b: {  	s9 =	sadd.s32 $0xFFFFFEF7, lr;
	s5 =	simm.s32 $0xFFFFFFFF;
	p2 =	slt.u32 s8, $0xFFFFF086  }
0x1c: {  	p1 =	slt.u32 s9, $0xF7A;
	s5 =	simm.s32 @!p2 $0x0  }
0x1d: {  	s5 =	simm.s32 @p1 $0x1;
	p0 =	seq.s32 s7, s2  }
0x1e: {  	s7 =	smul.u32 @!p0 $0xF7A, s2;
	p2 =	seq.s32 @!p0 s5, $0x0  }
0x1f: {  	s9 =	smul.u32 $0xF7A, s1;
	s8 =	simm.s32 @!p0 $0x1BF5;
	p2 =	por !p2, p0  }
0x20: {  	[sflag:s8] =	ssyncset.s32 @!p0 $0xFFFFF086;
	s6 =	sadd.s32 @!p0 s3, s7;
	s7 =	simm.s32 @!p0 $0x108  }
0x21: {  	s3 =	sadd.s32 s3, s9;
	s6 =	sadd.s32 @!p0 $0x88, s6;
	s7 =	simm.s32 @p2 $0x1082  }
0x22: {  	[simem:s7], [sflag:s8] =	dma.local @!p0 [hbm:s6], $0xF7A  }
0x23: {  	s9 =	sor.u32 $0xD0000000, s2;
	s6 =	simm.s32 $0x108;
	_ =	swait.ge @!p0 [sflag:s8], $0x0  }
0x24: {  	s3 =	sadd.s32 $0x88, s3;
	s6 =	simm.s32 @!p1 $0x1082;
	[sflag:s4] =	ssyncset.s32 $0xFFFFF086  }
0x25: {  	[simem:s6], [sflag:s4] =	dma.local [hbm:s3], $0xF7A  }
0x26: {  	[smem:$0x3F9C] =	sst s1;
	(tag) =	ssettag s2;
	_ =	strace s9  }
0x27: {  	s1 =	sld [smem:$0x3FAC]  }
0x28: {  	s2 =	sld [smem:$0x3FAD]  }
0x29: {  	s4 =	sld [smem:$0x3FAF]  }
0x2a: {  	p0 =	seq.s32 s5, $0x0;
	s5 =	sld [smem:$0x3FB0]  }
0x2b: {  	s6 =	sld [smem:$0x3FB1]  }
0x2c: {  	s7 =	sld [smem:$0x3FB2]  }
0x2d: {  	s3 =	simm.s32 $0x108;
	s8 =	sld [smem:$0x3FB3]  }
0x2e: {  	s3 =	simm.s32 @!p0 $0x1082;
	s9 =	sld [smem:$0x3FB4]  }
0x2f: {  	lr =	sadd.s32 s0, s3;
	s0 =	sld [smem:$0x3FAB]  }
0x30: {  	s3 =	sld [smem:$0x3FAE]  }
0x31: {  	[smem:$0x3FB7] =	sst s10  }
0x32: {  	s10 =	sld [smem:$0x3FB5];
	_ =	sdelay $0x3  }
0x33: {  	p0 =	seq.s32 s10, $0x1;
	s10 =	sld [smem:$0x3FB7];
	_ =	sdelay $0x3  }
0x34: {  	[smem:$0x3FB7] =	sst s10  }
0x35: {  	s10 =	sld [smem:$0x3FB6];
	_ =	sdelay $0x3  }
0x36: {  	p1 =	seq.s32 s10, $0x1;
	s10 =	sld [smem:$0x3FB7];
	_ =	sdelay $0x3  }
0x37: {  	[smem:$0x3FB7] =	sst s10  }
0x38: {  	s10 =	sld [smem:$0x3FB8]  }
0x39: {  	_ = 	snop;
	(pc) =	sbr.ind lr, $3  }
0x3a: {  	_ = 	snop  }
0x3b: {  	_ = 	snop  }
0x3c: {  	p2 =	seq.s32 s10, $0x1;
	s10 =	sld [smem:$0x3FB7]  }
0x3d: {  	_ =	shalt  }
0x3e: {  	_ =	shalt  }
0x3f: {  	_ =	shalt  }
0x40: {  	_ =	shalt  }
0x41: {  	_ =	shalt  }
0x42: {  	_ =	shalt  }
0x43: {  	_ =	shalt  }
0x44: {  	_ =	shalt  }
0x45: {  	_ =	shalt  }
0x46: {  	_ =	shalt  }
0x47: {  	_ =	shalt  }
0x48: {  	_ =	shalt  }
0x49: {  	_ =	shalt  }
0x4a: {  	_ =	shalt  }
0x4b: {  	_ =	shalt  }
0x4c: {  	_ =	shalt  }
0x4d: {  	_ =	shalt  }
0x4e: {  	_ =	shalt  }
0x4f: {  	_ =	shalt  }
0x50: {  	_ =	shalt  }
0x51: {  	_ =	shalt  }
0x52: {  	_ =	shalt  }
0x53: {  	_ =	shalt  }
0x54: {  	_ =	shalt  }
0x55: {  	_ =	shalt  }
0x56: {  	_ =	shalt  }
0x57: {  	_ =	shalt  }
0x58: {  	_ =	shalt  }
0x59: {  	_ =	shalt  }
0x5a: {  	_ =	shalt  }
0x5b: {  	_ =	shalt  }
0x5c: {  	_ =	shalt  }
0x5d: {  	_ =	shalt  }
0x5e: {  	_ =	shalt  }
0x5f: {  	_ =	shalt  }
0x60: {  	_ =	shalt  }
0x61: {  	_ =	shalt  }
0x62: {  	_ =	shalt  }
0x63: {  	_ =	shalt  }
0x64: {  	_ =	shalt  }
0x65: {  	_ =	shalt  }
0x66: {  	_ =	shalt  }
0x67: {  	_ =	shalt  }
0x68: {  	_ =	shalt  }
0x69: {  	_ =	shalt  }
0x6a: {  	_ =	shalt  }
0x6b: {  	_ =	shalt  }
0x6c: {  	_ =	shalt  }
0x6d: {  	_ =	shalt  }
0x6e: {  	_ =	shalt  }
0x6f: {  	_ =	shalt  }
0x70: {  	_ =	shalt  }
0x71: {  	_ =	shalt  }
0x72: {  	_ =	shalt  }
0x73: {  	_ =	shalt  }
0x74: {  	_ =	shalt  }
0x75: {  	_ =	shalt  }
0x76: {  	_ =	shalt  }
0x77: {  	_ =	shalt  }
0x78: {  	_ =	shalt  }
0x79: {  	_ =	shalt  }
0x7a: {  	_ =	shalt  }
0x7b: {  	_ =	shalt  }
0x7c: {  	_ =	shalt  }
0x7d: {  	_ =	shalt  }
0x7e: {  	_ =	shalt  }
0x7f: {  	_ =	shalt  }
0x80: {  	_ =	shalt  }
0x81: {  	_ =	shalt  }
0x82: {  	_ =	shalt  }
0x83: {  	_ =	shalt  }
0x84: {  	_ =	shalt  }
0x85: {  	_ =	shalt  }
0x86: {  	_ =	shalt  }
0x87: {  	_ =	shalt  }
.Lfunc_end0:
.L_simem_size_0:
called_computation_lowered:
.L_overlay_start_0:
0x88: {  	s2 =	sld [smem:$0x3FD9]  }
0x89: {  	s3 =	sld [smem:$0x3FFE];
	_ =	sdelay $0x1  }
0x8a: {  	s1 =	srdreg.scid  }
0x8b: {  	s0 =	sand.u32 $0x1, s1  }
0x8c: {  	s17 =	sshll.u32 s0, $0xA;
	s2 =	sadd.s32 s3, s2  }
0x8d: {  	s2 =	sadd.s32 s2, s17  }
0x8e: {  	[smem:$0x3FC3] =	sst s2  }
0x8f: {  	_ = 	snop  }
0x90: {  	s2 =	sld [smem:$0x3FD0];
	(tm) =	ssettm $0x1  }
0x91: {  	s18 =	sld [smem:$0x3FFB];
	_ =	sdelay $0x3  }
0x92: {  	_ =	strace s18  }
0x93: {  	s3 =	sld [smem:$0x3FFC];
	_ =	sdelay $0x3  }
0x94: {  	_ =	strace s3  }
0x95: {  	s3 =	sld [smem:$0x3FFD];
	_ =	sdelay $0x3  }
0x96: {  	_ =	strace s3  }
0x97: {  	_ =	strace $0x8FFFFFFF  }
0x98: {  	s19 =	sld [smem:$0x3FDB];
	_ =	sdelay $0x1  }
0x99: {  	s4 =	simm.s32 $_scs_section_size  }
0x9a: {  	s5 =	simm.s32 $_size__tile_overlayer_lowered;
	s6 =	simm.s32 $_tile_overlayer_lowered  }
0x9b: {  	s22 =	simm.s32 $0x1BFF;
	s21 =	sshll.u32 s6, $0x1;
	s3 =	sadd.s32 s4, s19  }
0x9c: {  	s7 =	simm.s32 $0x0;
	s20 =	sshll.u32 s5, $0x1;
	s5 =	sadd.s32 s21, s3  }
0x9d: {  	[timem:s7], [sflag:s22] =	dma.local [hbm:s5], s20  }
0x9e: {  	_ =	swait.ge [sflag:s22], s20  }
0x9f: {  	s4 =	ssub.s32 $0x0, s20;
	[sflag:s22] =	ssyncset.done $0x0  }
0xa0: {  	[sflag:s22] =	ssyncadd.s32 s4;
	_ =	sdelay $0x1  }
0xa1: {  	s23 =	simm.s32 $0x1B8B  }
0xa2: {  	_ =	swait.ge [sflag:s23], $0x1  }
0xa3: {  	[sflag:s23] =	ssyncset.done $0x0  }
0xa4: {  	s25 =	simm.s32 $0x1B8E;
	s24 =	sld [smem:$0x3FFE];
	[sflag:s23] =	ssyncadd.s32 $0xFFFFFFFF  }
0xa5: {  	s26 =	simm.s32 $execute0_lowered;
	[smem:$0x3FD2] =	sst s25  }
0xa6: {  	s5 =	sshll.u32 s26, $0x1;
	_ =	strace $0x80000046;
	[dreg:$0x1] =	wrdreg $0xFFFFFFFF  }
0xa7: {  	s28 =	simm.s32 $_size_execute0_lowered;
	s3 =	sadd.s32 s3, s5;
	[dreg:$0x0] =	wrdreg $0x0  }
0xa8: {  	s5 =	sshll.u32 s28, $0x1;
	[dreg:$0x2] =	wrdreg s3  }
0xa9: {  	[dreg:$0x3] =	wrdreg s5  }
0xaa: {  	[dreg:$0x4] =	wrdreg $0xC0  }
0xab: {  	_ =	task [dreg:s7], $0x5FFFF  }
0xac: {  	[dreg:$0x1] =	wrdreg $0xFFFFFFFF  }
0xad: {  	[dreg:$0x0] =	wrdreg $0x60  }
0xae: {  	[dreg:$0x2] =	wrdreg s24  }
0xaf: {  	[dreg:$0x3] =	wrdreg s2  }
0xb0: {  	[dreg:$0x4] =	wrdreg $0x9  }
0xb1: {  	_ =	task.clear_ibuf [dreg:s7], $0x5FFFF;
	_ =	strace $0x90000046  }
0xb2: {  	s29 =	simm.s32 $0x9;
	_ =	strace $0x80000048  }
0xb3: {  	_ =	swait.ge [sflag:s29], $0x1  }
0xb4: {  	[sflag:s29] =	ssyncadd.s32 $0xFFFFFFFF  }
0xb5: {  	_ =	strace $0x90000048  }
0xb6: {  	_ =	sfence  }
0xb7: {  	s30 =	sld [smem:$0x0];
	_ =	sdelay $0x2  }
0xb8: {  	s31 =	sshll.u32 s1, $0xD;
	s1 =	sshrl.u32 s1, $0x2  }
0xb9: {  	s3 =	sand.u32 $0x4000, s31;
	s1 =	sadd.s32 s1, s30  }
0xba: {  	s0 =	sor.u32 s3, s0;
	s1 =	sshll.u32 s1, $0x11  }
0xbb: {  	s0 =	sor.u32 s1, s0  }
0xbc: {  	s0 =	sadd.s32 $0x8F2B, s0  }
0xbd: {  	[sflag:s0] =	ssyncadd.remote.s32 $0x1  }
0xbe: {  	_ =	sfence.sel $0xFFFF  }
0xbf: {  	[dreg:$0x0] =	wrdreg $0xFFFFFFFF;
	(pc) =	sbr.abs _section_cstart, $3  }
0xc0: {  	[dreg:$0x1] =	wrdreg $0xFFFFFFFF  }
0xc1: {  	_ =	task.clear_ibuf [dreg:s7], $0x2FFFF;
	_ =	strace $0x9FFFFFFF  }
0xc2: {  	(tm) =	ssettm $0x7FFFFFFF  }
0xc3: {  	_ =	shalt  }
tec
execute0_lowered:
.L_overlay_start_1:
0x0: {  	(tag) =	ssettag $0x1  }
0x1: {  	s3 =	rddreg [dreg:$0x0];
	s1 =	srdreg.scid  }
0x2: {  	s0 =	stileid.u32;
	s5 =	rddreg [dreg:$0x1]  }
0x3: {  	s9 =	simm.s32 $0xC80;
	s4 =	sand.u32 $0x1, s1;
	s2 =	sshll.u32 s0, $0x1  }
0x4: {  	s10 =	simm.s32 $0x0;
	s1 =	rddreg [dreg:$0x2];
	s6 =	sor.u32 s4, s2  }
0x5: {  	s2 =	simm.s32 $0x0;
	s4 =	ssub.s32 $0x2, s4;
	s7 =	smul.u32 $0xC8, s6  }
0x6: {  	v0 =	vlaneseq.u32;
	[smem:$0x7FF] =	sst s2;
	s8 =	sshrl.u32 s4, $0x1;
	s6 =	sshll.u32 s6, $0xC  }
0x7: {  	v0 =	vmul.u32 $0x400, v0;
	_ =	strace $0x80000047;
	s8 =	ssub.s32 s4, s8;
	s5 =	sadd.s32 s5, s6  }
0x8: {  	s7 =	sadd.s32 s7, s3;
	s6 =	smax.u32 s8, $0x1;
	s8 =	simm.s32 $0x640  }
0x9: {  	v1 =	vimm.s32 $0x0;
	v2 =	vimm.s32 $0x1;
	v3 =	vor.u32 $0x4000, v0;
	s3 =	sadd.s32 $0x1600, s7;
	s4 =	sadd.s32 $0x3000, s7;
	s7 =	simm.s32 $0x1  }
.LBB2_1:
0xa: {  	[tilespmem:s2], [sflag:$0x1] =	stream.linear.gather [hbm4b:s3+s2], $0x640, $0x38;
	[tilespmem:$0x8C80] =	vst v63  }
0xb: {  	_ =	swait.ge [sflag:s7], $0x640  }
0xc: {  	[sflag:s7] =	ssyncset.done $0x0  }
0xd: {  	[sflag:s7] =	ssyncadd.s32 $0xFFFFF9C0  }
0xe: {  	[tilespmem:s8], [sflag:$0x1] =	stream.linear.gather [hbm4b:s4+s2], $0x640, $0x38;
	[tilespmem:$0x8C80] =	vst v63  }
0xf: {  	_ =	swait.ge [sflag:s7], $0x640  }
0x10: {  	[sflag:s7] =	ssyncset.done $0x0  }
0x11: {  	s11 =	simm.s32 $0x0;
	s12 =	simm.s32 $0x0;
	[sflag:s7] =	ssyncadd.s32 $0xFFFFF9C0  }
.LBB2_2:
0x12: {  	p0 =	sne.s32 s12, $0x1FFC0  }
.Ltmp0:
0x13: {  	_ = 	snop;
	(pc) =	sbr.rel @p0 .LBB2_2-.Ltmp0, $4  }
0x14: {  	s13 =	sand.u32 $0x1F000, s12  }
0x15: {  	s14 =	sand.u32 $0x3F0, s11;
	s13 =	sshrl.u32 s13, $0x2  }
0x16: {  	s13 =	sor.u32 s14, s13  }
0x17: {  	s11 =	sadd.s32 $0x10, s11;
	s12 =	sadd.s32 $0x40, s12;
	[tilespmem:s13+$0xC80] =	vst v1  }
0x18: {  	s12 =	simm.s32 $0x0  }
0x19: {  	s11 =	simm.s32 $0x40;
	v4 =	vld [tilespmem:s12+$0x0]  }
.LBB2_4:
0x1a: {  	p0 =	sne.s32 s11, $0x18C0;
	v5 =	vld [tilespmem:s12+$0x640];
	_ =	sdelay $0x4  }
0x1b: {  	v4 =	vshll.u32 v4, $0xA;
	v6 =	vand.u32 $0xFFFFFFF8, v5  }
0x1c: {  	v5 =	vand.u32 $0x7, v5;
	v4 =	vadd.s32 v4, v6  }
0x1d: {  	v4 =	vor.u32 v5, v4;
	_ =	sdelay $0x1  }
.Ltmp1:
0x1e: {  	(pc) =	sbr.rel @p0 .LBB2_4-.Ltmp1, $3  }
0x1f: {  	_ =	sdelay $0x1  }
0x20: {  	s12 =	sshra.s32 s11, $0x2;
	[tilespmem:v4+s9+$0x0] =	vst.idx.msk $0xffff, v2  }
0x21: {  	s11 =	sadd.s32 $0x40, s11;
	v4 =	vld [tilespmem:s12+$0x0]  }
0x22: {  	v5 =	vld [tilespmem:s12+$0x640];
	_ =	sdelay $0x4  }
0x23: {  	v4 =	vshll.u32 v4, $0xA;
	v6 =	vand.u32 $0xFFFFFFF8, v5  }
0x24: {  	v5 =	vand.u32 $0x7, v5;
	v4 =	vadd.s32 v4, v6  }
0x25: {  	v4 =	vor.u32 v5, v4;
	_ =	sdelay $0x4  }
0x26: {  	s10 =	sadd.s32 $0x1, s10;
	[tilespmem:v4+s9+$0x0] =	vst.idx.msk $0xffff, v2  }
0x27: {  	p0 =	sne.s32 s10, s6;
	[tilespmem:v0+s9+$0x0] =	vst.idx.msk $0xffff, v1  }
.Ltmp2:
0x28: {  	[tilespmem:v3+s9+$0x0] =	vst.idx.msk $0xffff, v1;
	(pc) =	sbr.rel @p0 .LBB2_1-.Ltmp2, $4  }
0x29: {  	[hbm4b:s5+s2] =	stream.linear.scatter [tilespmem:s9], [sflag:$0x1], $0x8000, $0x38;
	[tilespmem:$0x8C80] =	vst v63  }
0x2a: {  	_ =	swait.ge [sflag:s7], $0x8000  }
0x2b: {  	[sflag:s7] =	ssyncset.done $0x0  }
0x2c: {  	[sflag:s7] =	ssyncadd.s32 $0xFFFF8000  }
0x2d: {  	_ =	sfence.sel $0x180000  }
0x2e: {  	[bflag:$0x0] =	sbarrier.arrive $0xFFFF  }
0x2f: {  	p0 =	sne.s32 s0, $0x0;
	_ =	strace $0x90000047  }
0x30: {  	s0 =	sadd.s32 @!p0 $0x100000, s1;
	[bflag:$0x2] =	sbarrier.arrive $0xFFFF  }
0x31: {  	[sflag:s0] =	ssyncadd.tile.s32 @!p0 $0x1;
	_ =	shalt  }
.Lfunc_end2:
_tile_overlayer_lowered:
.L_overlay_start_2:
0x32: {  	(tag) =	ssettag $0x2  }
0x33: {  	s0 =	rddreg [dreg:$0x0];
	s2 =	stileid.u32  }
0x34: {  	s1 =	rddreg [dreg:$0x1];
	p0 =	sne.s32 s2, $0x0  }
0x35: {  	s3 =	rddreg [dreg:$0x2];
	[bflag:$0x3] =	sbarrier.arrive $0xFFFF;
	s2 =	simm.s32 @!p0 $0x1C01  }
0x36: {  	[timem:s3], [sflag:s2] =	dma.local @!p0 [hbm:s0], s1  }
0x37: {  	s0 =	simm.s32 @!p0 $0x1  }
0x38: {  	_ =	swait.ge @!p0 [sflag:s0], s1  }
0x39: {  	s1 =	ssub.s32 @!p0 $0x0, s1;
	[sflag:s0] =	ssyncset.done @!p0 $0x0  }
0x3a: {  	[sflag:s0] =	ssyncadd.s32 @!p0 s1  }
0x3b: {  	[bflag:$0x3] =	sbarrier.arrive $0xFFFF  }
0x3c: {  	_ =	shalt  }

</sc_bundles>
